<compile_context>
chip_gen: v7x
topology: tpu7x:2x2x1
jax: 0.10.2.dev20260603
libtpu: 0.0.44.dev20260713+nightly
codegen_flags: <defaults>
</compile_context>

<pallas_src>
import functools

import jax
import jax.numpy as jnp
from jax import lax
from jax.experimental import pallas as pl
from jax.experimental.pallas import tpu as pltpu
from jax.experimental.pallas import tpu_sc as plsc

_R, _D, _N = 100000, 64, 16384
_NC, _NS = 2, 16
_CS = 16
_SLABS = _D // (_NC * _CS)
_BPT = _N // _NS
_RPT = _R // _NS
_IDX_ROWS = _BPT // 128


def _scatter_add_body(idx_hbm, a_hbm, b_hbm, out_hbm, idx_v, b_v, acc):
    c = lax.axis_index("c")
    s = lax.axis_index("s")
    base = s * _BPT
    pltpu.sync_copy(idx_hbm.at[pl.ds(s * _IDX_ROWS, _IDX_ROWS)], idx_v)
    for k in range(_SLABS):
        col0 = (c * _SLABS + k) * _CS
        pltpu.sync_copy(
            a_hbm.at[pl.ds(s * _RPT, _RPT), pl.ds(col0, _CS)],
            acc.at[pl.ds(s * _RPT, _RPT), :],
        )
        pltpu.sync_copy(b_hbm.at[pl.ds(base, _BPT), pl.ds(col0, _CS)], b_v)
        plsc.subcore_barrier()
        for j in range(_IDX_ROWS):
            pltpu.sync_copy(
                b_v.at[pl.ds(j * 128, 128), :],
                acc.at[idx_v.at[j]],
                add=True,
            )
        plsc.subcore_barrier()
        pltpu.sync_copy(
            acc.at[pl.ds(s * _RPT, _RPT), :],
            out_hbm.at[pl.ds(s * _RPT, _RPT), pl.ds(col0, _CS)],
        )
        if k + 1 < _SLABS:
            plsc.subcore_barrier()


_sc_scatter_add = functools.partial(
    pl.kernel,
    out_type=jax.ShapeDtypeStruct((_R, _D), jnp.float32),
    mesh=plsc.VectorSubcoreMesh(
        core_axis_name="c", subcore_axis_name="s",
        num_cores=_NC, num_subcores=_NS,
    ),
    scratch_types=[
        pltpu.VMEM((_NS * _IDX_ROWS // _NS, 128), jnp.int32),
        pltpu.VMEM((_BPT, _CS), jnp.float32),
        pltpu.VMEM_SHARED((_R, _CS), jnp.float32),
    ],
    compiler_params=pltpu.CompilerParams(use_tc_tiling_on_sc=False),
)(_scatter_add_body)


@jax.jit
def kernel(index, A, B):
    idx2d = index.astype(jnp.int32).reshape(_NS * _IDX_ROWS, 128)
    return _sc_scatter_add(idx2d, A, B)

# --- scband reference (transcript-rebuilt; emitter-appended) ---
"""Pipeline reference for scband-net-11879879544032 (READ-ONLY COPY).

The authoritative reference and input builder live on the scoring server;
editing this copy changes nothing except your own understanding.
"""

import jax, jax.numpy as jnp
import numpy as np


def setup_inputs(seed: int = 0) -> dict:
    key = jax.random.key(seed)
    k1, k2, k3 = jax.random.split(key, 3)
    index = jax.random.randint(k1, (16384,), 0, 100000, dtype=jnp.int64) if jax.config.jax_enable_x64 else jax.random.randint(k1, (16384,), 0, 100000, dtype=jnp.int32)
    A = jax.random.normal(k2, (100000, 64), dtype=jnp.float32)
    B = jax.random.normal(k3, (16384, 64), dtype=jnp.float32)
    return {"index": index, "A": A, "B": B}


def reference(index, A, B):
    # torch: A.index_put((index,), B, accumulate=True)
    # -> scatter-add rows of B into A at row positions given by index
    out = A.at[index].add(B)
    return out

if __name__ == "__main__":
    import jax
    _d = setup_inputs()
    print(jax.jit(kernel)(*tuple(_d.values())))

</pallas_src>

<mosaic_0001>
#map = affine_map<(d0, d1) -> (0, 0)>
module attributes {stable_mosaic.version = 14 : i64} {
  func.func @_scatter_add_body(%arg0: i32, %arg1: i32, %arg2: memref<128x128xi32, #tpu.memory_space<hbm>>, %arg3: memref<100000x64xf32, #tpu.memory_space<hbm>>, %arg4: memref<16384x64xf32, #tpu.memory_space<hbm>>, %arg5: memref<100000x64xf32, #tpu.memory_space<hbm>>, %arg6: memref<8x128xi32, #tpu.memory_space<vmem>>, %arg7: memref<1024x16xf32, #tpu.memory_space<vmem>>, %arg8: memref<100000x16xf32, #tpu.memory_space<vmem_shared>>) attributes {dimension_semantics = [#tpu.dimension_semantics<core_parallel>, #tpu.dimension_semantics<subcore_parallel>], iteration_bounds = array<i64: 2, 16>, scalar_prefetch = 0 : i64, scratch_operands = 3 : i64, tpu.core_type = #tpu.core_type<sc_vector_subcore>, window_params = [{transform_indices = #map}, {transform_indices = #map}, {transform_indices = #map}, {transform_indices = #map}]} {
    %mul3A = arith.constant 1024 : i32
    %mul3A_0 = arith.muli %arg1, %mul3A : i32
    %mul3A_1 = arith.constant 8 : i32
    %mul3A_2 = arith.muli %arg1, %mul3A_1 : i32
    "tpu.region"() ({
      %run_scoped3A_49 = tpu.sem_alloc : memref<!tpu.dma_semaphore, #tpu.memory_space<semaphore_mem>>
      %dma_start3A = arith.constant 0 : i32
      %dma_start3A_50 = tpu.memref_slice %arg2[%mul3A_2, %dma_start3A] : memref<128x128xi32, #tpu.memory_space<hbm>> -> memref<8x128xi32, #tpu.memory_space<hbm>>
      %dma_start3A_51 = arith.constant 0 : i32
      %dma_start3A_52 = tpu.memref_slice %arg2[%mul3A_2, %dma_start3A_51] : memref<128x128xi32, #tpu.memory_space<hbm>> -> memref<8x128xi32, #tpu.memory_space<hbm>>
      tpu.enqueue_dma source(%dma_start3A_52 : memref<8x128xi32, #tpu.memory_space<hbm>>) target(%arg6 : memref<8x128xi32, #tpu.memory_space<vmem>>) target_semaphore(%run_scoped3A_49 : memref<!tpu.dma_semaphore, #tpu.memory_space<semaphore_mem>>)
      %dma_wait3A = arith.constant 0 : i32
      %dma_wait3A_53 = tpu.memref_slice %arg2[%mul3A_2, %dma_wait3A] : memref<128x128xi32, #tpu.memory_space<hbm>> -> memref<8x128xi32, #tpu.memory_space<hbm>>
      %dma_wait3A_54 = arith.constant 0 : i32
      %dma_wait3A_55 = tpu.memref_slice %arg2[%mul3A_2, %dma_wait3A_54] : memref<128x128xi32, #tpu.memory_space<hbm>> -> memref<8x128xi32, #tpu.memory_space<hbm>>
      tpu.wait_dma2 semaphore(%run_scoped3A_49 : memref<!tpu.dma_semaphore, #tpu.memory_space<semaphore_mem>>) src(%dma_wait3A_55 : memref<8x128xi32, #tpu.memory_space<hbm>>) dst(%arg6 : memref<8x128xi32, #tpu.memory_space<vmem>>)
      tpu.yield
    }) : () -> ()
    %mul3A_3 = arith.constant 2 : i32
    %mul3A_4 = arith.muli %arg0, %mul3A_3 : i32
    %add3A = arith.constant 0 : i32
    %add3A_5 = arith.addi %mul3A_4, %add3A : i32
    %mul3A_6 = arith.constant 16 : i32
    %mul3A_7 = arith.muli %add3A_5, %mul3A_6 : i32
    %mul3A_8 = arith.constant 6250 : i32
    %mul3A_9 = arith.muli %arg1, %mul3A_8 : i32
    %mul3A_10 = arith.constant 6250 : i32
    %mul3A_11 = arith.muli %arg1, %mul3A_10 : i32
    "tpu.region"() ({
      %run_scoped3A_49 = tpu.sem_alloc : memref<!tpu.dma_semaphore, #tpu.memory_space<semaphore_mem>>
      %dma_start3A = arith.constant 0 : i32
      %dma_start3A_50 = tpu.memref_slice %arg8[%mul3A_11, %dma_start3A] : memref<100000x16xf32, #tpu.memory_space<vmem_shared>> -> memref<6250x16xf32, #tpu.memory_space<vmem_shared>>
      %dma_start3A_51 = tpu.memref_slice %arg3[%mul3A_9, %mul3A_7] : memref<100000x64xf32, #tpu.memory_space<hbm>> -> memref<6250x16xf32, #tpu.memory_space<hbm>>
      tpu.enqueue_dma source(%dma_start3A_51 : memref<6250x16xf32, #tpu.memory_space<hbm>>) target(%dma_start3A_50 : memref<6250x16xf32, #tpu.memory_space<vmem_shared>>) target_semaphore(%run_scoped3A_49 : memref<!tpu.dma_semaphore, #tpu.memory_space<semaphore_mem>>)
      %dma_wait3A = arith.constant 0 : i32
      %dma_wait3A_52 = tpu.memref_slice %arg8[%mul3A_11, %dma_wait3A] : memref<100000x16xf32, #tpu.memory_space<vmem_shared>> -> memref<6250x16xf32, #tpu.memory_space<vmem_shared>>
      %dma_wait3A_53 = tpu.memref_slice %arg3[%mul3A_9, %mul3A_7] : memref<100000x64xf32, #tpu.memory_space<hbm>> -> memref<6250x16xf32, #tpu.memory_space<hbm>>
      tpu.wait_dma2 semaphore(%run_scoped3A_49 : memref<!tpu.dma_semaphore, #tpu.memory_space<semaphore_mem>>) src(%dma_wait3A_53 : memref<6250x16xf32, #tpu.memory_space<hbm>>) dst(%dma_wait3A_52 : memref<6250x16xf32, #tpu.memory_space<vmem_shared>>)
      tpu.yield
    }) : () -> ()
    "tpu.region"() ({
      %run_scoped3A_49 = tpu.sem_alloc : memref<!tpu.dma_semaphore, #tpu.memory_space<semaphore_mem>>
      %dma_start3A = tpu.memref_slice %arg4[%mul3A_0, %mul3A_7] : memref<16384x64xf32, #tpu.memory_space<hbm>> -> memref<1024x16xf32, #tpu.memory_space<hbm>>
      %dma_start3A_50 = tpu.memref_slice %arg4[%mul3A_0, %mul3A_7] : memref<16384x64xf32, #tpu.memory_space<hbm>> -> memref<1024x16xf32, #tpu.memory_space<hbm>>
      tpu.enqueue_dma source(%dma_start3A_50 : memref<1024x16xf32, #tpu.memory_space<hbm>>) target(%arg7 : memref<1024x16xf32, #tpu.memory_space<vmem>>) target_semaphore(%run_scoped3A_49 : memref<!tpu.dma_semaphore, #tpu.memory_space<semaphore_mem>>)
      %dma_wait3A = tpu.memref_slice %arg4[%mul3A_0, %mul3A_7] : memref<16384x64xf32, #tpu.memory_space<hbm>> -> memref<1024x16xf32, #tpu.memory_space<hbm>>
      %dma_wait3A_51 = tpu.memref_slice %arg4[%mul3A_0, %mul3A_7] : memref<16384x64xf32, #tpu.memory_space<hbm>> -> memref<1024x16xf32, #tpu.memory_space<hbm>>
      tpu.wait_dma2 semaphore(%run_scoped3A_49 : memref<!tpu.dma_semaphore, #tpu.memory_space<semaphore_mem>>) src(%dma_wait3A_51 : memref<1024x16xf32, #tpu.memory_space<hbm>>) dst(%arg7 : memref<1024x16xf32, #tpu.memory_space<vmem>>)
      tpu.yield
    }) : () -> ()
    %barrier3A = arith.constant 0 : index
    tpu.barrier barrier_id(%barrier3A)
    %run_scoped3A = arith.constant 0 : i32
    "tpu.region"() ({
      %run_scoped3A_49 = tpu.sem_alloc : memref<!tpu.dma_semaphore, #tpu.memory_space<semaphore_mem>>
      %dma_start3A = arith.constant 0 : i32
      %dma_start3A_50 = arith.constant 0 : i32
      %dma_start3A_51 = tpu.memref_slice %arg7[%dma_start3A, %dma_start3A_50] : memref<1024x16xf32, #tpu.memory_space<vmem>> -> memref<128x16xf32, #tpu.memory_space<vmem>>
      %dma_start3A_52 = arith.constant 0 : i32
      %dma_start3A_53 = tpu.memref_slice %arg6[%run_scoped3A, %dma_start3A_52] : memref<8x128xi32, #tpu.memory_space<vmem>> -> memref<1x128xi32, #tpu.memory_space<vmem>>
      %dma_start3A_54 = tpu.memref_squeeze %dma_start3A_53 : memref<1x128xi32, #tpu.memory_space<vmem>> -> memref<128xi32, #tpu.memory_space<vmem>>
      %dma_start3A_55 = arith.constant 0 : i32
      %dma_start3A_56 = arith.constant 0 : i32
      %dma_start3A_57 = tpu.memref_slice %arg8[%dma_start3A_55, %dma_start3A_56] : memref<100000x16xf32, #tpu.memory_space<vmem_shared>> -> memref<100000x16xf32, #tpu.memory_space<vmem_shared>>
      tpu.enqueue_indirect_dma source(%dma_start3A_51 : memref<128x16xf32, #tpu.memory_space<vmem>>) target(%dma_start3A_57 : memref<100000x16xf32, #tpu.memory_space<vmem_shared>>) offsets(%dma_start3A_54 : memref<128xi32, #tpu.memory_space<vmem>>) semaphore(%run_scoped3A_49 : memref<!tpu.dma_semaphore, #tpu.memory_space<semaphore_mem>>) {add = true}
      %dma_wait3A = arith.constant 0 : i32
      %dma_wait3A_58 = arith.constant 0 : i32
      %dma_wait3A_59 = tpu.memref_slice %arg7[%dma_wait3A, %dma_wait3A_58] : memref<1024x16xf32, #tpu.memory_space<vmem>> -> memref<128x16xf32, #tpu.memory_space<vmem>>
      %dma_wait3A_60 = arith.constant 0 : i32
      %dma_wait3A_61 = tpu.memref_slice %arg6[%run_scoped3A, %dma_wait3A_60] : memref<8x128xi32, #tpu.memory_space<vmem>> -> memref<1x128xi32, #tpu.memory_space<vmem>>
      %dma_wait3A_62 = tpu.memref_squeeze %dma_wait3A_61 : memref<1x128xi32, #tpu.memory_space<vmem>> -> memref<128xi32, #tpu.memory_space<vmem>>
      %dma_wait3A_63 = arith.constant 0 : i32
      %dma_wait3A_64 = arith.constant 0 : i32
      %dma_wait3A_65 = tpu.memref_slice %arg8[%dma_wait3A_63, %dma_wait3A_64] : memref<100000x16xf32, #tpu.memory_space<vmem_shared>> -> memref<100000x16xf32, #tpu.memory_space<vmem_shared>>
      tpu.wait_indirect_dma semaphore(%run_scoped3A_49 : memref<!tpu.dma_semaphore, #tpu.memory_space<semaphore_mem>>) src(%dma_wait3A_59 : memref<128x16xf32, #tpu.memory_space<vmem>>) dst(%dma_wait3A_65 : memref<100000x16xf32, #tpu.memory_space<vmem_shared>>)
      tpu.yield
    }) : () -> ()
    %run_scoped3A_12 = arith.constant 1 : i32
    "tpu.region"() ({
      %run_scoped3A_49 = tpu.sem_alloc : memref<!tpu.dma_semaphore, #tpu.memory_space<semaphore_mem>>
      %dma_start3A = arith.constant 128 : i32
      %dma_start3A_50 = arith.constant 0 : i32
      %dma_start3A_51 = tpu.memref_slice %arg7[%dma_start3A, %dma_start3A_50] : memref<1024x16xf32, #tpu.memory_space<vmem>> -> memref<128x16xf32, #tpu.memory_space<vmem>>
      %dma_start3A_52 = arith.constant 0 : i32
      %dma_start3A_53 = tpu.memref_slice %arg6[%run_scoped3A_12, %dma_start3A_52] : memref<8x128xi32, #tpu.memory_space<vmem>> -> memref<1x128xi32, #tpu.memory_space<vmem>>
      %dma_start3A_54 = tpu.memref_squeeze %dma_start3A_53 : memref<1x128xi32, #tpu.memory_space<vmem>> -> memref<128xi32, #tpu.memory_space<vmem>>
      %dma_start3A_55 = arith.constant 0 : i32
      %dma_start3A_56 = arith.constant 0 : i32
      %dma_start3A_57 = tpu.memref_slice %arg8[%dma_start3A_55, %dma_start3A_56] : memref<100000x16xf32, #tpu.memory_space<vmem_shared>> -> memref<100000x16xf32, #tpu.memory_space<vmem_shared>>
      tpu.enqueue_indirect_dma source(%dma_start3A_51 : memref<128x16xf32, #tpu.memory_space<vmem>>) target(%dma_start3A_57 : memref<100000x16xf32, #tpu.memory_space<vmem_shared>>) offsets(%dma_start3A_54 : memref<128xi32, #tpu.memory_space<vmem>>) semaphore(%run_scoped3A_49 : memref<!tpu.dma_semaphore, #tpu.memory_space<semaphore_mem>>) {add = true}
      %dma_wait3A = arith.constant 128 : i32
      %dma_wait3A_58 = arith.constant 0 : i32
      %dma_wait3A_59 = tpu.memref_slice %arg7[%dma_wait3A, %dma_wait3A_58] : memref<1024x16xf32, #tpu.memory_space<vmem>> -> memref<128x16xf32, #tpu.memory_space<vmem>>
      %dma_wait3A_60 = arith.constant 0 : i32
      %dma_wait3A_61 = tpu.memref_slice %arg6[%run_scoped3A_12, %dma_wait3A_60] : memref<8x128xi32, #tpu.memory_space<vmem>> -> memref<1x128xi32, #tpu.memory_space<vmem>>
      %dma_wait3A_62 = tpu.memref_squeeze %dma_wait3A_61 : memref<1x128xi32, #tpu.memory_space<vmem>> -> memref<128xi32, #tpu.memory_space<vmem>>
      %dma_wait3A_63 = arith.constant 0 : i32
      %dma_wait3A_64 = arith.constant 0 : i32
      %dma_wait3A_65 = tpu.memref_slice %arg8[%dma_wait3A_63, %dma_wait3A_64] : memref<100000x16xf32, #tpu.memory_space<vmem_shared>> -> memref<100000x16xf32, #tpu.memory_space<vmem_shared>>
      tpu.wait_indirect_dma semaphore(%run_scoped3A_49 : memref<!tpu.dma_semaphore, #tpu.memory_space<semaphore_mem>>) src(%dma_wait3A_59 : memref<128x16xf32, #tpu.memory_space<vmem>>) dst(%dma_wait3A_65 : memref<100000x16xf32, #tpu.memory_space<vmem_shared>>)
      tpu.yield
    }) : () -> ()
    %run_scoped3A_13 = arith.constant 2 : i32
    "tpu.region"() ({
      %run_scoped3A_49 = tpu.sem_alloc : memref<!tpu.dma_semaphore, #tpu.memory_space<semaphore_mem>>
      %dma_start3A = arith.constant 256 : i32
      %dma_start3A_50 = arith.constant 0 : i32
      %dma_start3A_51 = tpu.memref_slice %arg7[%dma_start3A, %dma_start3A_50] : memref<1024x16xf32, #tpu.memory_space<vmem>> -> memref<128x16xf32, #tpu.memory_space<vmem>>
      %dma_start3A_52 = arith.constant 0 : i32
      %dma_start3A_53 = tpu.memref_slice %arg6[%run_scoped3A_13, %dma_start3A_52] : memref<8x128xi32, #tpu.memory_space<vmem>> -> memref<1x128xi32, #tpu.memory_space<vmem>>
      %dma_start3A_54 = tpu.memref_squeeze %dma_start3A_53 : memref<1x128xi32, #tpu.memory_space<vmem>> -> memref<128xi32, #tpu.memory_space<vmem>>
      %dma_start3A_55 = arith.constant 0 : i32
      %dma_start3A_56 = arith.constant 0 : i32
      %dma_start3A_57 = tpu.memref_slice %arg8[%dma_start3A_55, %dma_start3A_56] : memref<100000x16xf32, #tpu.memory_space<vmem_shared>> -> memref<100000x16xf32, #tpu.memory_space<vmem_shared>>
      tpu.enqueue_indirect_dma source(%dma_start3A_51 : memref<128x16xf32, #tpu.memory_space<vmem>>) target(%dma_start3A_57 : memref<100000x16xf32, #tpu.memory_space<vmem_shared>>) offsets(%dma_start3A_54 : memref<128xi32, #tpu.memory_space<vmem>>) semaphore(%run_scoped3A_49 : memref<!tpu.dma_semaphore, #tpu.memory_space<semaphore_mem>>) {add = true}
      %dma_wait3A = arith.constant 256 : i32
      %dma_wait3A_58 = arith.constant 0 : i32
      %dma_wait3A_59 = tpu.memref_slice %arg7[%dma_wait3A, %dma_wait3A_58] : memref<1024x16xf32, #tpu.memory_space<vmem>> -> memref<128x16xf32, #tpu.memory_space<vmem>>
      %dma_wait3A_60 = arith.constant 0 : i32
      %dma_wait3A_61 = tpu.memref_slice %arg6[%run_scoped3A_13, %dma_wait3A_60] : memref<8x128xi32, #tpu.memory_space<vmem>> -> memref<1x128xi32, #tpu.memory_space<vmem>>
      %dma_wait3A_62 = tpu.memref_squeeze %dma_wait3A_61 : memref<1x128xi32, #tpu.memory_space<vmem>> -> memref<128xi32, #tpu.memory_space<vmem>>
      %dma_wait3A_63 = arith.constant 0 : i32
      %dma_wait3A_64 = arith.constant 0 : i32
      %dma_wait3A_65 = tpu.memref_slice %arg8[%dma_wait3A_63, %dma_wait3A_64] : memref<100000x16xf32, #tpu.memory_space<vmem_shared>> -> memref<100000x16xf32, #tpu.memory_space<vmem_shared>>
      tpu.wait_indirect_dma semaphore(%run_scoped3A_49 : memref<!tpu.dma_semaphore, #tpu.memory_space<semaphore_mem>>) src(%dma_wait3A_59 : memref<128x16xf32, #tpu.memory_space<vmem>>) dst(%dma_wait3A_65 : memref<100000x16xf32, #tpu.memory_space<vmem_shared>>)
      tpu.yield
    }) : () -> ()
    %run_scoped3A_14 = arith.constant 3 : i32
    "tpu.region"() ({
      %run_scoped3A_49 = tpu.sem_alloc : memref<!tpu.dma_semaphore, #tpu.memory_space<semaphore_mem>>
      %dma_start3A = arith.constant 384 : i32
      %dma_start3A_50 = arith.constant 0 : i32
      %dma_start3A_51 = tpu.memref_slice %arg7[%dma_start3A, %dma_start3A_50] : memref<1024x16xf32, #tpu.memory_space<vmem>> -> memref<128x16xf32, #tpu.memory_space<vmem>>
      %dma_start3A_52 = arith.constant 0 : i32
      %dma_start3A_53 = tpu.memref_slice %arg6[%run_scoped3A_14, %dma_start3A_52] : memref<8x128xi32, #tpu.memory_space<vmem>> -> memref<1x128xi32, #tpu.memory_space<vmem>>
      %dma_start3A_54 = tpu.memref_squeeze %dma_start3A_53 : memref<1x128xi32, #tpu.memory_space<vmem>> -> memref<128xi32, #tpu.memory_space<vmem>>
      %dma_start3A_55 = arith.constant 0 : i32
      %dma_start3A_56 = arith.constant 0 : i32
      %dma_start3A_57 = tpu.memref_slice %arg8[%dma_start3A_55, %dma_start3A_56] : memref<100000x16xf32, #tpu.memory_space<vmem_shared>> -> memref<100000x16xf32, #tpu.memory_space<vmem_shared>>
      tpu.enqueue_indirect_dma source(%dma_start3A_51 : memref<128x16xf32, #tpu.memory_space<vmem>>) target(%dma_start3A_57 : memref<100000x16xf32, #tpu.memory_space<vmem_shared>>) offsets(%dma_start3A_54 : memref<128xi32, #tpu.memory_space<vmem>>) semaphore(%run_scoped3A_49 : memref<!tpu.dma_semaphore, #tpu.memory_space<semaphore_mem>>) {add = true}
      %dma_wait3A = arith.constant 384 : i32
      %dma_wait3A_58 = arith.constant 0 : i32
      %dma_wait3A_59 = tpu.memref_slice %arg7[%dma_wait3A, %dma_wait3A_58] : memref<1024x16xf32, #tpu.memory_space<vmem>> -> memref<128x16xf32, #tpu.memory_space<vmem>>
      %dma_wait3A_60 = arith.constant 0 : i32
      %dma_wait3A_61 = tpu.memref_slice %arg6[%run_scoped3A_14, %dma_wait3A_60] : memref<8x128xi32, #tpu.memory_space<vmem>> -> memref<1x128xi32, #tpu.memory_space<vmem>>
      %dma_wait3A_62 = tpu.memref_squeeze %dma_wait3A_61 : memref<1x128xi32, #tpu.memory_space<vmem>> -> memref<128xi32, #tpu.memory_space<vmem>>
      %dma_wait3A_63 = arith.constant 0 : i32
      %dma_wait3A_64 = arith.constant 0 : i32
      %dma_wait3A_65 = tpu.memref_slice %arg8[%dma_wait3A_63, %dma_wait3A_64] : memref<100000x16xf32, #tpu.memory_space<vmem_shared>> -> memref<100000x16xf32, #tpu.memory_space<vmem_shared>>
      tpu.wait_indirect_dma semaphore(%run_scoped3A_49 : memref<!tpu.dma_semaphore, #tpu.memory_space<semaphore_mem>>) src(%dma_wait3A_59 : memref<128x16xf32, #tpu.memory_space<vmem>>) dst(%dma_wait3A_65 : memref<100000x16xf32, #tpu.memory_space<vmem_shared>>)
      tpu.yield
    }) : () -> ()
    %run_scoped3A_15 = arith.constant 4 : i32
    "tpu.region"() ({
      %run_scoped3A_49 = tpu.sem_alloc : memref<!tpu.dma_semaphore, #tpu.memory_space<semaphore_mem>>
      %dma_start3A = arith.constant 512 : i32
      %dma_start3A_50 = arith.constant 0 : i32
      %dma_start3A_51 = tpu.memref_slice %arg7[%dma_start3A, %dma_start3A_50] : memref<1024x16xf32, #tpu.memory_space<vmem>> -> memref<128x16xf32, #tpu.memory_space<vmem>>
      %dma_start3A_52 = arith.constant 0 : i32
      %dma_start3A_53 = tpu.memref_slice %arg6[%run_scoped3A_15, %dma_start3A_52] : memref<8x128xi32, #tpu.memory_space<vmem>> -> memref<1x128xi32, #tpu.memory_space<vmem>>
      %dma_start3A_54 = tpu.memref_squeeze %dma_start3A_53 : memref<1x128xi32, #tpu.memory_space<vmem>> -> memref<128xi32, #tpu.memory_space<vmem>>
      %dma_start3A_55 = arith.constant 0 : i32
      %dma_start3A_56 = arith.constant 0 : i32
      %dma_start3A_57 = tpu.memref_slice %arg8[%dma_start3A_55, %dma_start3A_56] : memref<100000x16xf32, #tpu.memory_space<vmem_shared>> -> memref<100000x16xf32, #tpu.memory_space<vmem_shared>>
      tpu.enqueue_indirect_dma source(%dma_start3A_51 : memref<128x16xf32, #tpu.memory_space<vmem>>) target(%dma_start3A_57 : memref<100000x16xf32, #tpu.memory_space<vmem_shared>>) offsets(%dma_start3A_54 : memref<128xi32, #tpu.memory_space<vmem>>) semaphore(%run_scoped3A_49 : memref<!tpu.dma_semaphore, #tpu.memory_space<semaphore_mem>>) {add = true}
      %dma_wait3A = arith.constant 512 : i32
      %dma_wait3A_58 = arith.constant 0 : i32
      %dma_wait3A_59 = tpu.memref_slice %arg7[%dma_wait3A, %dma_wait3A_58] : memref<1024x16xf32, #tpu.memory_space<vmem>> -> memref<128x16xf32, #tpu.memory_space<vmem>>
      %dma_wait3A_60 = arith.constant 0 : i32
      %dma_wait3A_61 = tpu.memref_slice %arg6[%run_scoped3A_15, %dma_wait3A_60] : memref<8x128xi32, #tpu.memory_space<vmem>> -> memref<1x128xi32, #tpu.memory_space<vmem>>
      %dma_wait3A_62 = tpu.memref_squeeze %dma_wait3A_61 : memref<1x128xi32, #tpu.memory_space<vmem>> -> memref<128xi32, #tpu.memory_space<vmem>>
      %dma_wait3A_63 = arith.constant 0 : i32
      %dma_wait3A_64 = arith.constant 0 : i32
      %dma_wait3A_65 = tpu.memref_slice %arg8[%dma_wait3A_63, %dma_wait3A_64] : memref<100000x16xf32, #tpu.memory_space<vmem_shared>> -> memref<100000x16xf32, #tpu.memory_space<vmem_shared>>
      tpu.wait_indirect_dma semaphore(%run_scoped3A_49 : memref<!tpu.dma_semaphore, #tpu.memory_space<semaphore_mem>>) src(%dma_wait3A_59 : memref<128x16xf32, #tpu.memory_space<vmem>>) dst(%dma_wait3A_65 : memref<100000x16xf32, #tpu.memory_space<vmem_shared>>)
      tpu.yield
    }) : () -> ()
    %run_scoped3A_16 = arith.constant 5 : i32
    "tpu.region"() ({
      %run_scoped3A_49 = tpu.sem_alloc : memref<!tpu.dma_semaphore, #tpu.memory_space<semaphore_mem>>
      %dma_start3A = arith.constant 640 : i32
      %dma_start3A_50 = arith.constant 0 : i32
      %dma_start3A_51 = tpu.memref_slice %arg7[%dma_start3A, %dma_start3A_50] : memref<1024x16xf32, #tpu.memory_space<vmem>> -> memref<128x16xf32, #tpu.memory_space<vmem>>
      %dma_start3A_52 = arith.constant 0 : i32
      %dma_start3A_53 = tpu.memref_slice %arg6[%run_scoped3A_16, %dma_start3A_52] : memref<8x128xi32, #tpu.memory_space<vmem>> -> memref<1x128xi32, #tpu.memory_space<vmem>>
      %dma_start3A_54 = tpu.memref_squeeze %dma_start3A_53 : memref<1x128xi32, #tpu.memory_space<vmem>> -> memref<128xi32, #tpu.memory_space<vmem>>
      %dma_start3A_55 = arith.constant 0 : i32
      %dma_start3A_56 = arith.constant 0 : i32
      %dma_start3A_57 = tpu.memref_slice %arg8[%dma_start3A_55, %dma_start3A_56] : memref<100000x16xf32, #tpu.memory_space<vmem_shared>> -> memref<100000x16xf32, #tpu.memory_space<vmem_shared>>
      tpu.enqueue_indirect_dma source(%dma_start3A_51 : memref<128x16xf32, #tpu.memory_space<vmem>>) target(%dma_start3A_57 : memref<100000x16xf32, #tpu.memory_space<vmem_shared>>) offsets(%dma_start3A_54 : memref<128xi32, #tpu.memory_space<vmem>>) semaphore(%run_scoped3A_49 : memref<!tpu.dma_semaphore, #tpu.memory_space<semaphore_mem>>) {add = true}
      %dma_wait3A = arith.constant 640 : i32
      %dma_wait3A_58 = arith.constant 0 : i32
      %dma_wait3A_59 = tpu.memref_slice %arg7[%dma_wait3A, %dma_wait3A_58] : memref<1024x16xf32, #tpu.memory_space<vmem>> -> memref<128x16xf32, #tpu.memory_space<vmem>>
      %dma_wait3A_60 = arith.constant 0 : i32
      %dma_wait3A_61 = tpu.memref_slice %arg6[%run_scoped3A_16, %dma_wait3A_60] : memref<8x128xi32, #tpu.memory_space<vmem>> -> memref<1x128xi32, #tpu.memory_space<vmem>>
      %dma_wait3A_62 = tpu.memref_squeeze %dma_wait3A_61 : memref<1x128xi32, #tpu.memory_space<vmem>> -> memref<128xi32, #tpu.memory_space<vmem>>
      %dma_wait3A_63 = arith.constant 0 : i32
      %dma_wait3A_64 = arith.constant 0 : i32
      %dma_wait3A_65 = tpu.memref_slice %arg8[%dma_wait3A_63, %dma_wait3A_64] : memref<100000x16xf32, #tpu.memory_space<vmem_shared>> -> memref<100000x16xf32, #tpu.memory_space<vmem_shared>>
      tpu.wait_indirect_dma semaphore(%run_scoped3A_49 : memref<!tpu.dma_semaphore, #tpu.memory_space<semaphore_mem>>) src(%dma_wait3A_59 : memref<128x16xf32, #tpu.memory_space<vmem>>) dst(%dma_wait3A_65 : memref<100000x16xf32, #tpu.memory_space<vmem_shared>>)
      tpu.yield
    }) : () -> ()
    %run_scoped3A_17 = arith.constant 6 : i32
    "tpu.region"() ({
      %run_scoped3A_49 = tpu.sem_alloc : memref<!tpu.dma_semaphore, #tpu.memory_space<semaphore_mem>>
      %dma_start3A = arith.constant 768 : i32
      %dma_start3A_50 = arith.constant 0 : i32
      %dma_start3A_51 = tpu.memref_slice %arg7[%dma_start3A, %dma_start3A_50] : memref<1024x16xf32, #tpu.memory_space<vmem>> -> memref<128x16xf32, #tpu.memory_space<vmem>>
      %dma_start3A_52 = arith.constant 0 : i32
      %dma_start3A_53 = tpu.memref_slice %arg6[%run_scoped3A_17, %dma_start3A_52] : memref<8x128xi32, #tpu.memory_space<vmem>> -> memref<1x128xi32, #tpu.memory_space<vmem>>
      %dma_start3A_54 = tpu.memref_squeeze %dma_start3A_53 : memref<1x128xi32, #tpu.memory_space<vmem>> -> memref<128xi32, #tpu.memory_space<vmem>>
      %dma_start3A_55 = arith.constant 0 : i32
      %dma_start3A_56 = arith.constant 0 : i32
      %dma_start3A_57 = tpu.memref_slice %arg8[%dma_start3A_55, %dma_start3A_56] : memref<100000x16xf32, #tpu.memory_space<vmem_shared>> -> memref<100000x16xf32, #tpu.memory_space<vmem_shared>>
      tpu.enqueue_indirect_dma source(%dma_start3A_51 : memref<128x16xf32, #tpu.memory_space<vmem>>) target(%dma_start3A_57 : memref<100000x16xf32, #tpu.memory_space<vmem_shared>>) offsets(%dma_start3A_54 : memref<128xi32, #tpu.memory_space<vmem>>) semaphore(%run_scoped3A_49 : memref<!tpu.dma_semaphore, #tpu.memory_space<semaphore_mem>>) {add = true}
      %dma_wait3A = arith.constant 768 : i32
      %dma_wait3A_58 = arith.constant 0 : i32
      %dma_wait3A_59 = tpu.memref_slice %arg7[%dma_wait3A, %dma_wait3A_58] : memref<1024x16xf32, #tpu.memory_space<vmem>> -> memref<128x16xf32, #tpu.memory_space<vmem>>
      %dma_wait3A_60 = arith.constant 0 : i32
      %dma_wait3A_61 = tpu.memref_slice %arg6[%run_scoped3A_17, %dma_wait3A_60] : memref<8x128xi32, #tpu.memory_space<vmem>> -> memref<1x128xi32, #tpu.memory_space<vmem>>
      %dma_wait3A_62 = tpu.memref_squeeze %dma_wait3A_61 : memref<1x128xi32, #tpu.memory_space<vmem>> -> memref<128xi32, #tpu.memory_space<vmem>>
      %dma_wait3A_63 = arith.constant 0 : i32
      %dma_wait3A_64 = arith.constant 0 : i32
      %dma_wait3A_65 = tpu.memref_slice %arg8[%dma_wait3A_63, %dma_wait3A_64] : memref<100000x16xf32, #tpu.memory_space<vmem_shared>> -> memref<100000x16xf32, #tpu.memory_space<vmem_shared>>
      tpu.wait_indirect_dma semaphore(%run_scoped3A_49 : memref<!tpu.dma_semaphore, #tpu.memory_space<semaphore_mem>>) src(%dma_wait3A_59 : memref<128x16xf32, #tpu.memory_space<vmem>>) dst(%dma_wait3A_65 : memref<100000x16xf32, #tpu.memory_space<vmem_shared>>)
      tpu.yield
    }) : () -> ()
    %run_scoped3A_18 = arith.constant 7 : i32
    "tpu.region"() ({
      %run_scoped3A_49 = tpu.sem_alloc : memref<!tpu.dma_semaphore, #tpu.memory_space<semaphore_mem>>
      %dma_start3A = arith.constant 896 : i32
      %dma_start3A_50 = arith.constant 0 : i32
      %dma_start3A_51 = tpu.memref_slice %arg7[%dma_start3A, %dma_start3A_50] : memref<1024x16xf32, #tpu.memory_space<vmem>> -> memref<128x16xf32, #tpu.memory_space<vmem>>
      %dma_start3A_52 = arith.constant 0 : i32
      %dma_start3A_53 = tpu.memref_slice %arg6[%run_scoped3A_18, %dma_start3A_52] : memref<8x128xi32, #tpu.memory_space<vmem>> -> memref<1x128xi32, #tpu.memory_space<vmem>>
      %dma_start3A_54 = tpu.memref_squeeze %dma_start3A_53 : memref<1x128xi32, #tpu.memory_space<vmem>> -> memref<128xi32, #tpu.memory_space<vmem>>
      %dma_start3A_55 = arith.constant 0 : i32
      %dma_start3A_56 = arith.constant 0 : i32
      %dma_start3A_57 = tpu.memref_slice %arg8[%dma_start3A_55, %dma_start3A_56] : memref<100000x16xf32, #tpu.memory_space<vmem_shared>> -> memref<100000x16xf32, #tpu.memory_space<vmem_shared>>
      tpu.enqueue_indirect_dma source(%dma_start3A_51 : memref<128x16xf32, #tpu.memory_space<vmem>>) target(%dma_start3A_57 : memref<100000x16xf32, #tpu.memory_space<vmem_shared>>) offsets(%dma_start3A_54 : memref<128xi32, #tpu.memory_space<vmem>>) semaphore(%run_scoped3A_49 : memref<!tpu.dma_semaphore, #tpu.memory_space<semaphore_mem>>) {add = true}
      %dma_wait3A = arith.constant 896 : i32
      %dma_wait3A_58 = arith.constant 0 : i32
      %dma_wait3A_59 = tpu.memref_slice %arg7[%dma_wait3A, %dma_wait3A_58] : memref<1024x16xf32, #tpu.memory_space<vmem>> -> memref<128x16xf32, #tpu.memory_space<vmem>>
      %dma_wait3A_60 = arith.constant 0 : i32
      %dma_wait3A_61 = tpu.memref_slice %arg6[%run_scoped3A_18, %dma_wait3A_60] : memref<8x128xi32, #tpu.memory_space<vmem>> -> memref<1x128xi32, #tpu.memory_space<vmem>>
      %dma_wait3A_62 = tpu.memref_squeeze %dma_wait3A_61 : memref<1x128xi32, #tpu.memory_space<vmem>> -> memref<128xi32, #tpu.memory_space<vmem>>
      %dma_wait3A_63 = arith.constant 0 : i32
      %dma_wait3A_64 = arith.constant 0 : i32
      %dma_wait3A_65 = tpu.memref_slice %arg8[%dma_wait3A_63, %dma_wait3A_64] : memref<100000x16xf32, #tpu.memory_space<vmem_shared>> -> memref<100000x16xf32, #tpu.memory_space<vmem_shared>>
      tpu.wait_indirect_dma semaphore(%run_scoped3A_49 : memref<!tpu.dma_semaphore, #tpu.memory_space<semaphore_mem>>) src(%dma_wait3A_59 : memref<128x16xf32, #tpu.memory_space<vmem>>) dst(%dma_wait3A_65 : memref<100000x16xf32, #tpu.memory_space<vmem_shared>>)
      tpu.yield
    }) : () -> ()
    %barrier3A_19 = arith.constant 0 : index
    tpu.barrier barrier_id(%barrier3A_19)
    %mul3A_20 = arith.constant 6250 : i32
    %mul3A_21 = arith.muli %arg1, %mul3A_20 : i32
    %mul3A_22 = arith.constant 6250 : i32
    %mul3A_23 = arith.muli %arg1, %mul3A_22 : i32
    "tpu.region"() ({
      %run_scoped3A_49 = tpu.sem_alloc : memref<!tpu.dma_semaphore, #tpu.memory_space<semaphore_mem>>
      %dma_start3A = tpu.memref_slice %arg5[%mul3A_23, %mul3A_7] : memref<100000x64xf32, #tpu.memory_space<hbm>> -> memref<6250x16xf32, #tpu.memory_space<hbm>>
      %dma_start3A_50 = arith.constant 0 : i32
      %dma_start3A_51 = tpu.memref_slice %arg8[%mul3A_21, %dma_start3A_50] : memref<100000x16xf32, #tpu.memory_space<vmem_shared>> -> memref<6250x16xf32, #tpu.memory_space<vmem_shared>>
      tpu.enqueue_dma source(%dma_start3A_51 : memref<6250x16xf32, #tpu.memory_space<vmem_shared>>) target(%dma_start3A : memref<6250x16xf32, #tpu.memory_space<hbm>>) target_semaphore(%run_scoped3A_49 : memref<!tpu.dma_semaphore, #tpu.memory_space<semaphore_mem>>)
      %dma_wait3A = tpu.memref_slice %arg5[%mul3A_23, %mul3A_7] : memref<100000x64xf32, #tpu.memory_space<hbm>> -> memref<6250x16xf32, #tpu.memory_space<hbm>>
      %dma_wait3A_52 = arith.constant 0 : i32
      %dma_wait3A_53 = tpu.memref_slice %arg8[%mul3A_21, %dma_wait3A_52] : memref<100000x16xf32, #tpu.memory_space<vmem_shared>> -> memref<6250x16xf32, #tpu.memory_space<vmem_shared>>
      tpu.wait_dma2 semaphore(%run_scoped3A_49 : memref<!tpu.dma_semaphore, #tpu.memory_space<semaphore_mem>>) src(%dma_wait3A_53 : memref<6250x16xf32, #tpu.memory_space<vmem_shared>>) dst(%dma_wait3A : memref<6250x16xf32, #tpu.memory_space<hbm>>)
      tpu.yield
    }) : () -> ()
    %barrier3A_24 = arith.constant 0 : index
    tpu.barrier barrier_id(%barrier3A_24)
    %mul3A_25 = arith.constant 2 : i32
    %mul3A_26 = arith.muli %arg0, %mul3A_25 : i32
    %add3A_27 = arith.constant 1 : i32
    %add3A_28 = arith.addi %mul3A_26, %add3A_27 : i32
    %mul3A_29 = arith.constant 16 : i32
    %mul3A_30 = arith.muli %add3A_28, %mul3A_29 : i32
    %mul3A_31 = arith.constant 6250 : i32
    %mul3A_32 = arith.muli %arg1, %mul3A_31 : i32
    %mul3A_33 = arith.constant 6250 : i32
    %mul3A_34 = arith.muli %arg1, %mul3A_33 : i32
    "tpu.region"() ({
      %run_scoped3A_49 = tpu.sem_alloc : memref<!tpu.dma_semaphore, #tpu.memory_space<semaphore_mem>>
      %dma_start3A = arith.constant 0 : i32
      %dma_start3A_50 = tpu.memref_slice %arg8[%mul3A_34, %dma_start3A] : memref<100000x16xf32, #tpu.memory_space<vmem_shared>> -> memref<6250x16xf32, #tpu.memory_space<vmem_shared>>
      %dma_start3A_51 = tpu.memref_slice %arg3[%mul3A_32, %mul3A_30] : memref<100000x64xf32, #tpu.memory_space<hbm>> -> memref<6250x16xf32, #tpu.memory_space<hbm>>
      tpu.enqueue_dma source(%dma_start3A_51 : memref<6250x16xf32, #tpu.memory_space<hbm>>) target(%dma_start3A_50 : memref<6250x16xf32, #tpu.memory_space<vmem_shared>>) target_semaphore(%run_scoped3A_49 : memref<!tpu.dma_semaphore, #tpu.memory_space<semaphore_mem>>)
      %dma_wait3A = arith.constant 0 : i32
      %dma_wait3A_52 = tpu.memref_slice %arg8[%mul3A_34, %dma_wait3A] : memref<100000x16xf32, #tpu.memory_space<vmem_shared>> -> memref<6250x16xf32, #tpu.memory_space<vmem_shared>>
      %dma_wait3A_53 = tpu.memref_slice %arg3[%mul3A_32, %mul3A_30] : memref<100000x64xf32, #tpu.memory_space<hbm>> -> memref<6250x16xf32, #tpu.memory_space<hbm>>
      tpu.wait_dma2 semaphore(%run_scoped3A_49 : memref<!tpu.dma_semaphore, #tpu.memory_space<semaphore_mem>>) src(%dma_wait3A_53 : memref<6250x16xf32, #tpu.memory_space<hbm>>) dst(%dma_wait3A_52 : memref<6250x16xf32, #tpu.memory_space<vmem_shared>>)
      tpu.yield
    }) : () -> ()
    "tpu.region"() ({
      %run_scoped3A_49 = tpu.sem_alloc : memref<!tpu.dma_semaphore, #tpu.memory_space<semaphore_mem>>
      %dma_start3A = tpu.memref_slice %arg4[%mul3A_0, %mul3A_30] : memref<16384x64xf32, #tpu.memory_space<hbm>> -> memref<1024x16xf32, #tpu.memory_space<hbm>>
      %dma_start3A_50 = tpu.memref_slice %arg4[%mul3A_0, %mul3A_30] : memref<16384x64xf32, #tpu.memory_space<hbm>> -> memref<1024x16xf32, #tpu.memory_space<hbm>>
      tpu.enqueue_dma source(%dma_start3A_50 : memref<1024x16xf32, #tpu.memory_space<hbm>>) target(%arg7 : memref<1024x16xf32, #tpu.memory_space<vmem>>) target_semaphore(%run_scoped3A_49 : memref<!tpu.dma_semaphore, #tpu.memory_space<semaphore_mem>>)
      %dma_wait3A = tpu.memref_slice %arg4[%mul3A_0, %mul3A_30] : memref<16384x64xf32, #tpu.memory_space<hbm>> -> memref<1024x16xf32, #tpu.memory_space<hbm>>
      %dma_wait3A_51 = tpu.memref_slice %arg4[%mul3A_0, %mul3A_30] : memref<16384x64xf32, #tpu.memory_space<hbm>> -> memref<1024x16xf32, #tpu.memory_space<hbm>>
      tpu.wait_dma2 semaphore(%run_scoped3A_49 : memref<!tpu.dma_semaphore, #tpu.memory_space<semaphore_mem>>) src(%dma_wait3A_51 : memref<1024x16xf32, #tpu.memory_space<hbm>>) dst(%arg7 : memref<1024x16xf32, #tpu.memory_space<vmem>>)
      tpu.yield
    }) : () -> ()
    %barrier3A_35 = arith.constant 0 : index
    tpu.barrier barrier_id(%barrier3A_35)
    %run_scoped3A_36 = arith.constant 0 : i32
    "tpu.region"() ({
      %run_scoped3A_49 = tpu.sem_alloc : memref<!tpu.dma_semaphore, #tpu.memory_space<semaphore_mem>>
      %dma_start3A = arith.constant 0 : i32
      %dma_start3A_50 = arith.constant 0 : i32
      %dma_start3A_51 = tpu.memref_slice %arg7[%dma_start3A, %dma_start3A_50] : memref<1024x16xf32, #tpu.memory_space<vmem>> -> memref<128x16xf32, #tpu.memory_space<vmem>>
      %dma_start3A_52 = arith.constant 0 : i32
      %dma_start3A_53 = tpu.memref_slice %arg6[%run_scoped3A_36, %dma_start3A_52] : memref<8x128xi32, #tpu.memory_space<vmem>> -> memref<1x128xi32, #tpu.memory_space<vmem>>
      %dma_start3A_54 = tpu.memref_squeeze %dma_start3A_53 : memref<1x128xi32, #tpu.memory_space<vmem>> -> memref<128xi32, #tpu.memory_space<vmem>>
      %dma_start3A_55 = arith.constant 0 : i32
      %dma_start3A_56 = arith.constant 0 : i32
      %dma_start3A_57 = tpu.memref_slice %arg8[%dma_start3A_55, %dma_start3A_56] : memref<100000x16xf32, #tpu.memory_space<vmem_shared>> -> memref<100000x16xf32, #tpu.memory_space<vmem_shared>>
      tpu.enqueue_indirect_dma source(%dma_start3A_51 : memref<128x16xf32, #tpu.memory_space<vmem>>) target(%dma_start3A_57 : memref<100000x16xf32, #tpu.memory_space<vmem_shared>>) offsets(%dma_start3A_54 : memref<128xi32, #tpu.memory_space<vmem>>) semaphore(%run_scoped3A_49 : memref<!tpu.dma_semaphore, #tpu.memory_space<semaphore_mem>>) {add = true}
      %dma_wait3A = arith.constant 0 : i32
      %dma_wait3A_58 = arith.constant 0 : i32
      %dma_wait3A_59 = tpu.memref_slice %arg7[%dma_wait3A, %dma_wait3A_58] : memref<1024x16xf32, #tpu.memory_space<vmem>> -> memref<128x16xf32, #tpu.memory_space<vmem>>
      %dma_wait3A_60 = arith.constant 0 : i32
      %dma_wait3A_61 = tpu.memref_slice %arg6[%run_scoped3A_36, %dma_wait3A_60] : memref<8x128xi32, #tpu.memory_space<vmem>> -> memref<1x128xi32, #tpu.memory_space<vmem>>
      %dma_wait3A_62 = tpu.memref_squeeze %dma_wait3A_61 : memref<1x128xi32, #tpu.memory_space<vmem>> -> memref<128xi32, #tpu.memory_space<vmem>>
      %dma_wait3A_63 = arith.constant 0 : i32
      %dma_wait3A_64 = arith.constant 0 : i32
      %dma_wait3A_65 = tpu.memref_slice %arg8[%dma_wait3A_63, %dma_wait3A_64] : memref<100000x16xf32, #tpu.memory_space<vmem_shared>> -> memref<100000x16xf32, #tpu.memory_space<vmem_shared>>
      tpu.wait_indirect_dma semaphore(%run_scoped3A_49 : memref<!tpu.dma_semaphore, #tpu.memory_space<semaphore_mem>>) src(%dma_wait3A_59 : memref<128x16xf32, #tpu.memory_space<vmem>>) dst(%dma_wait3A_65 : memref<100000x16xf32, #tpu.memory_space<vmem_shared>>)
      tpu.yield
    }) : () -> ()
    %run_scoped3A_37 = arith.constant 1 : i32
    "tpu.region"() ({
      %run_scoped3A_49 = tpu.sem_alloc : memref<!tpu.dma_semaphore, #tpu.memory_space<semaphore_mem>>
      %dma_start3A = arith.constant 128 : i32
      %dma_start3A_50 = arith.constant 0 : i32
      %dma_start3A_51 = tpu.memref_slice %arg7[%dma_start3A, %dma_start3A_50] : memref<1024x16xf32, #tpu.memory_space<vmem>> -> memref<128x16xf32, #tpu.memory_space<vmem>>
      %dma_start3A_52 = arith.constant 0 : i32
      %dma_start3A_53 = tpu.memref_slice %arg6[%run_scoped3A_37, %dma_start3A_52] : memref<8x128xi32, #tpu.memory_space<vmem>> -> memref<1x128xi32, #tpu.memory_space<vmem>>
      %dma_start3A_54 = tpu.memref_squeeze %dma_start3A_53 : memref<1x128xi32, #tpu.memory_space<vmem>> -> memref<128xi32, #tpu.memory_space<vmem>>
      %dma_start3A_55 = arith.constant 0 : i32
      %dma_start3A_56 = arith.constant 0 : i32
      %dma_start3A_57 = tpu.memref_slice %arg8[%dma_start3A_55, %dma_start3A_56] : memref<100000x16xf32, #tpu.memory_space<vmem_shared>> -> memref<100000x16xf32, #tpu.memory_space<vmem_shared>>
      tpu.enqueue_indirect_dma source(%dma_start3A_51 : memref<128x16xf32, #tpu.memory_space<vmem>>) target(%dma_start3A_57 : memref<100000x16xf32, #tpu.memory_space<vmem_shared>>) offsets(%dma_start3A_54 : memref<128xi32, #tpu.memory_space<vmem>>) semaphore(%run_scoped3A_49 : memref<!tpu.dma_semaphore, #tpu.memory_space<semaphore_mem>>) {add = true}
      %dma_wait3A = arith.constant 128 : i32
      %dma_wait3A_58 = arith.constant 0 : i32
      %dma_wait3A_59 = tpu.memref_slice %arg7[%dma_wait3A, %dma_wait3A_58] : memref<1024x16xf32, #tpu.memory_space<vmem>> -> memref<128x16xf32, #tpu.memory_space<vmem>>
      %dma_wait3A_60 = arith.constant 0 : i32
      %dma_wait3A_61 = tpu.memref_slice %arg6[%run_scoped3A_37, %dma_wait3A_60] : memref<8x128xi32, #tpu.memory_space<vmem>> -> memref<1x128xi32, #tpu.memory_space<vmem>>
      %dma_wait3A_62 = tpu.memref_squeeze %dma_wait3A_61 : memref<1x128xi32, #tpu.memory_space<vmem>> -> memref<128xi32, #tpu.memory_space<vmem>>
      %dma_wait3A_63 = arith.constant 0 : i32
      %dma_wait3A_64 = arith.constant 0 : i32
      %dma_wait3A_65 = tpu.memref_slice %arg8[%dma_wait3A_63, %dma_wait3A_64] : memref<100000x16xf32, #tpu.memory_space<vmem_shared>> -> memref<100000x16xf32, #tpu.memory_space<vmem_shared>>
      tpu.wait_indirect_dma semaphore(%run_scoped3A_49 : memref<!tpu.dma_semaphore, #tpu.memory_space<semaphore_mem>>) src(%dma_wait3A_59 : memref<128x16xf32, #tpu.memory_space<vmem>>) dst(%dma_wait3A_65 : memref<100000x16xf32, #tpu.memory_space<vmem_shared>>)
      tpu.yield
    }) : () -> ()
    %run_scoped3A_38 = arith.constant 2 : i32
    "tpu.region"() ({
      %run_scoped3A_49 = tpu.sem_alloc : memref<!tpu.dma_semaphore, #tpu.memory_space<semaphore_mem>>
      %dma_start3A = arith.constant 256 : i32
      %dma_start3A_50 = arith.constant 0 : i32
      %dma_start3A_51 = tpu.memref_slice %arg7[%dma_start3A, %dma_start3A_50] : memref<1024x16xf32, #tpu.memory_space<vmem>> -> memref<128x16xf32, #tpu.memory_space<vmem>>
      %dma_start3A_52 = arith.constant 0 : i32
      %dma_start3A_53 = tpu.memref_slice %arg6[%run_scoped3A_38, %dma_start3A_52] : memref<8x128xi32, #tpu.memory_space<vmem>> -> memref<1x128xi32, #tpu.memory_space<vmem>>
      %dma_start3A_54 = tpu.memref_squeeze %dma_start3A_53 : memref<1x128xi32, #tpu.memory_space<vmem>> -> memref<128xi32, #tpu.memory_space<vmem>>
      %dma_start3A_55 = arith.constant 0 : i32
      %dma_start3A_56 = arith.constant 0 : i32
      %dma_start3A_57 = tpu.memref_slice %arg8[%dma_start3A_55, %dma_start3A_56] : memref<100000x16xf32, #tpu.memory_space<vmem_shared>> -> memref<100000x16xf32, #tpu.memory_space<vmem_shared>>
      tpu.enqueue_indirect_dma source(%dma_start3A_51 : memref<128x16xf32, #tpu.memory_space<vmem>>) target(%dma_start3A_57 : memref<100000x16xf32, #tpu.memory_space<vmem_shared>>) offsets(%dma_start3A_54 : memref<128xi32, #tpu.memory_space<vmem>>) semaphore(%run_scoped3A_49 : memref<!tpu.dma_semaphore, #tpu.memory_space<semaphore_mem>>) {add = true}
      %dma_wait3A = arith.constant 256 : i32
      %dma_wait3A_58 = arith.constant 0 : i32
      %dma_wait3A_59 = tpu.memref_slice %arg7[%dma_wait3A, %dma_wait3A_58] : memref<1024x16xf32, #tpu.memory_space<vmem>> -> memref<128x16xf32, #tpu.memory_space<vmem>>
      %dma_wait3A_60 = arith.constant 0 : i32
      %dma_wait3A_61 = tpu.memref_slice %arg6[%run_scoped3A_38, %dma_wait3A_60] : memref<8x128xi32, #tpu.memory_space<vmem>> -> memref<1x128xi32, #tpu.memory_space<vmem>>
      %dma_wait3A_62 = tpu.memref_squeeze %dma_wait3A_61 : memref<1x128xi32, #tpu.memory_space<vmem>> -> memref<128xi32, #tpu.memory_space<vmem>>
      %dma_wait3A_63 = arith.constant 0 : i32
      %dma_wait3A_64 = arith.constant 0 : i32
      %dma_wait3A_65 = tpu.memref_slice %arg8[%dma_wait3A_63, %dma_wait3A_64] : memref<100000x16xf32, #tpu.memory_space<vmem_shared>> -> memref<100000x16xf32, #tpu.memory_space<vmem_shared>>
      tpu.wait_indirect_dma semaphore(%run_scoped3A_49 : memref<!tpu.dma_semaphore, #tpu.memory_space<semaphore_mem>>) src(%dma_wait3A_59 : memref<128x16xf32, #tpu.memory_space<vmem>>) dst(%dma_wait3A_65 : memref<100000x16xf32, #tpu.memory_space<vmem_shared>>)
      tpu.yield
    }) : () -> ()
    %run_scoped3A_39 = arith.constant 3 : i32
    "tpu.region"() ({
      %run_scoped3A_49 = tpu.sem_alloc : memref<!tpu.dma_semaphore, #tpu.memory_space<semaphore_mem>>
      %dma_start3A = arith.constant 384 : i32
      %dma_start3A_50 = arith.constant 0 : i32
      %dma_start3A_51 = tpu.memref_slice %arg7[%dma_start3A, %dma_start3A_50] : memref<1024x16xf32, #tpu.memory_space<vmem>> -> memref<128x16xf32, #tpu.memory_space<vmem>>
      %dma_start3A_52 = arith.constant 0 : i32
      %dma_start3A_53 = tpu.memref_slice %arg6[%run_scoped3A_39, %dma_start3A_52] : memref<8x128xi32, #tpu.memory_space<vmem>> -> memref<1x128xi32, #tpu.memory_space<vmem>>
      %dma_start3A_54 = tpu.memref_squeeze %dma_start3A_53 : memref<1x128xi32, #tpu.memory_space<vmem>> -> memref<128xi32, #tpu.memory_space<vmem>>
      %dma_start3A_55 = arith.constant 0 : i32
      %dma_start3A_56 = arith.constant 0 : i32
      %dma_start3A_57 = tpu.memref_slice %arg8[%dma_start3A_55, %dma_start3A_56] : memref<100000x16xf32, #tpu.memory_space<vmem_shared>> -> memref<100000x16xf32, #tpu.memory_space<vmem_shared>>
      tpu.enqueue_indirect_dma source(%dma_start3A_51 : memref<128x16xf32, #tpu.memory_space<vmem>>) target(%dma_start3A_57 : memref<100000x16xf32, #tpu.memory_space<vmem_shared>>) offsets(%dma_start3A_54 : memref<128xi32, #tpu.memory_space<vmem>>) semaphore(%run_scoped3A_49 : memref<!tpu.dma_semaphore, #tpu.memory_space<semaphore_mem>>) {add = true}
      %dma_wait3A = arith.constant 384 : i32
      %dma_wait3A_58 = arith.constant 0 : i32
      %dma_wait3A_59 = tpu.memref_slice %arg7[%dma_wait3A, %dma_wait3A_58] : memref<1024x16xf32, #tpu.memory_space<vmem>> -> memref<128x16xf32, #tpu.memory_space<vmem>>
      %dma_wait3A_60 = arith.constant 0 : i32
      %dma_wait3A_61 = tpu.memref_slice %arg6[%run_scoped3A_39, %dma_wait3A_60] : memref<8x128xi32, #tpu.memory_space<vmem>> -> memref<1x128xi32, #tpu.memory_space<vmem>>
      %dma_wait3A_62 = tpu.memref_squeeze %dma_wait3A_61 : memref<1x128xi32, #tpu.memory_space<vmem>> -> memref<128xi32, #tpu.memory_space<vmem>>
      %dma_wait3A_63 = arith.constant 0 : i32
      %dma_wait3A_64 = arith.constant 0 : i32
      %dma_wait3A_65 = tpu.memref_slice %arg8[%dma_wait3A_63, %dma_wait3A_64] : memref<100000x16xf32, #tpu.memory_space<vmem_shared>> -> memref<100000x16xf32, #tpu.memory_space<vmem_shared>>
      tpu.wait_indirect_dma semaphore(%run_scoped3A_49 : memref<!tpu.dma_semaphore, #tpu.memory_space<semaphore_mem>>) src(%dma_wait3A_59 : memref<128x16xf32, #tpu.memory_space<vmem>>) dst(%dma_wait3A_65 : memref<100000x16xf32, #tpu.memory_space<vmem_shared>>)
      tpu.yield
    }) : () -> ()
    %run_scoped3A_40 = arith.constant 4 : i32
    "tpu.region"() ({
      %run_scoped3A_49 = tpu.sem_alloc : memref<!tpu.dma_semaphore, #tpu.memory_space<semaphore_mem>>
      %dma_start3A = arith.constant 512 : i32
      %dma_start3A_50 = arith.constant 0 : i32
      %dma_start3A_51 = tpu.memref_slice %arg7[%dma_start3A, %dma_start3A_50] : memref<1024x16xf32, #tpu.memory_space<vmem>> -> memref<128x16xf32, #tpu.memory_space<vmem>>
      %dma_start3A_52 = arith.constant 0 : i32
      %dma_start3A_53 = tpu.memref_slice %arg6[%run_scoped3A_40, %dma_start3A_52] : memref<8x128xi32, #tpu.memory_space<vmem>> -> memref<1x128xi32, #tpu.memory_space<vmem>>
      %dma_start3A_54 = tpu.memref_squeeze %dma_start3A_53 : memref<1x128xi32, #tpu.memory_space<vmem>> -> memref<128xi32, #tpu.memory_space<vmem>>
      %dma_start3A_55 = arith.constant 0 : i32
      %dma_start3A_56 = arith.constant 0 : i32
      %dma_start3A_57 = tpu.memref_slice %arg8[%dma_start3A_55, %dma_start3A_56] : memref<100000x16xf32, #tpu.memory_space<vmem_shared>> -> memref<100000x16xf32, #tpu.memory_space<vmem_shared>>
      tpu.enqueue_indirect_dma source(%dma_start3A_51 : memref<128x16xf32, #tpu.memory_space<vmem>>) target(%dma_start3A_57 : memref<100000x16xf32, #tpu.memory_space<vmem_shared>>) offsets(%dma_start3A_54 : memref<128xi32, #tpu.memory_space<vmem>>) semaphore(%run_scoped3A_49 : memref<!tpu.dma_semaphore, #tpu.memory_space<semaphore_mem>>) {add = true}
      %dma_wait3A = arith.constant 512 : i32
      %dma_wait3A_58 = arith.constant 0 : i32
      %dma_wait3A_59 = tpu.memref_slice %arg7[%dma_wait3A, %dma_wait3A_58] : memref<1024x16xf32, #tpu.memory_space<vmem>> -> memref<128x16xf32, #tpu.memory_space<vmem>>
      %dma_wait3A_60 = arith.constant 0 : i32
      %dma_wait3A_61 = tpu.memref_slice %arg6[%run_scoped3A_40, %dma_wait3A_60] : memref<8x128xi32, #tpu.memory_space<vmem>> -> memref<1x128xi32, #tpu.memory_space<vmem>>
      %dma_wait3A_62 = tpu.memref_squeeze %dma_wait3A_61 : memref<1x128xi32, #tpu.memory_space<vmem>> -> memref<128xi32, #tpu.memory_space<vmem>>
      %dma_wait3A_63 = arith.constant 0 : i32
      %dma_wait3A_64 = arith.constant 0 : i32
      %dma_wait3A_65 = tpu.memref_slice %arg8[%dma_wait3A_63, %dma_wait3A_64] : memref<100000x16xf32, #tpu.memory_space<vmem_shared>> -> memref<100000x16xf32, #tpu.memory_space<vmem_shared>>
      tpu.wait_indirect_dma semaphore(%run_scoped3A_49 : memref<!tpu.dma_semaphore, #tpu.memory_space<semaphore_mem>>) src(%dma_wait3A_59 : memref<128x16xf32, #tpu.memory_space<vmem>>) dst(%dma_wait3A_65 : memref<100000x16xf32, #tpu.memory_space<vmem_shared>>)
      tpu.yield
    }) : () -> ()
    %run_scoped3A_41 = arith.constant 5 : i32
    "tpu.region"() ({
      %run_scoped3A_49 = tpu.sem_alloc : memref<!tpu.dma_semaphore, #tpu.memory_space<semaphore_mem>>
      %dma_start3A = arith.constant 640 : i32
      %dma_start3A_50 = arith.constant 0 : i32
      %dma_start3A_51 = tpu.memref_slice %arg7[%dma_start3A, %dma_start3A_50] : memref<1024x16xf32, #tpu.memory_space<vmem>> -> memref<128x16xf32, #tpu.memory_space<vmem>>
      %dma_start3A_52 = arith.constant 0 : i32
      %dma_start3A_53 = tpu.memref_slice %arg6[%run_scoped3A_41, %dma_start3A_52] : memref<8x128xi32, #tpu.memory_space<vmem>> -> memref<1x128xi32, #tpu.memory_space<vmem>>
      %dma_start3A_54 = tpu.memref_squeeze %dma_start3A_53 : memref<1x128xi32, #tpu.memory_space<vmem>> -> memref<128xi32, #tpu.memory_space<vmem>>
      %dma_start3A_55 = arith.constant 0 : i32
      %dma_start3A_56 = arith.constant 0 : i32
      %dma_start3A_57 = tpu.memref_slice %arg8[%dma_start3A_55, %dma_start3A_56] : memref<100000x16xf32, #tpu.memory_space<vmem_shared>> -> memref<100000x16xf32, #tpu.memory_space<vmem_shared>>
      tpu.enqueue_indirect_dma source(%dma_start3A_51 : memref<128x16xf32, #tpu.memory_space<vmem>>) target(%dma_start3A_57 : memref<100000x16xf32, #tpu.memory_space<vmem_shared>>) offsets(%dma_start3A_54 : memref<128xi32, #tpu.memory_space<vmem>>) semaphore(%run_scoped3A_49 : memref<!tpu.dma_semaphore, #tpu.memory_space<semaphore_mem>>) {add = true}
      %dma_wait3A = arith.constant 640 : i32
      %dma_wait3A_58 = arith.constant 0 : i32
      %dma_wait3A_59 = tpu.memref_slice %arg7[%dma_wait3A, %dma_wait3A_58] : memref<1024x16xf32, #tpu.memory_space<vmem>> -> memref<128x16xf32, #tpu.memory_space<vmem>>
      %dma_wait3A_60 = arith.constant 0 : i32
      %dma_wait3A_61 = tpu.memref_slice %arg6[%run_scoped3A_41, %dma_wait3A_60] : memref<8x128xi32, #tpu.memory_space<vmem>> -> memref<1x128xi32, #tpu.memory_space<vmem>>
      %dma_wait3A_62 = tpu.memref_squeeze %dma_wait3A_61 : memref<1x128xi32, #tpu.memory_space<vmem>> -> memref<128xi32, #tpu.memory_space<vmem>>
      %dma_wait3A_63 = arith.constant 0 : i32
      %dma_wait3A_64 = arith.constant 0 : i32
      %dma_wait3A_65 = tpu.memref_slice %arg8[%dma_wait3A_63, %dma_wait3A_64] : memref<100000x16xf32, #tpu.memory_space<vmem_shared>> -> memref<100000x16xf32, #tpu.memory_space<vmem_shared>>
      tpu.wait_indirect_dma semaphore(%run_scoped3A_49 : memref<!tpu.dma_semaphore, #tpu.memory_space<semaphore_mem>>) src(%dma_wait3A_59 : memref<128x16xf32, #tpu.memory_space<vmem>>) dst(%dma_wait3A_65 : memref<100000x16xf32, #tpu.memory_space<vmem_shared>>)
      tpu.yield
    }) : () -> ()
    %run_scoped3A_42 = arith.constant 6 : i32
    "tpu.region"() ({
      %run_scoped3A_49 = tpu.sem_alloc : memref<!tpu.dma_semaphore, #tpu.memory_space<semaphore_mem>>
      %dma_start3A = arith.constant 768 : i32
      %dma_start3A_50 = arith.constant 0 : i32
      %dma_start3A_51 = tpu.memref_slice %arg7[%dma_start3A, %dma_start3A_50] : memref<1024x16xf32, #tpu.memory_space<vmem>> -> memref<128x16xf32, #tpu.memory_space<vmem>>
      %dma_start3A_52 = arith.constant 0 : i32
      %dma_start3A_53 = tpu.memref_slice %arg6[%run_scoped3A_42, %dma_start3A_52] : memref<8x128xi32, #tpu.memory_space<vmem>> -> memref<1x128xi32, #tpu.memory_space<vmem>>
      %dma_start3A_54 = tpu.memref_squeeze %dma_start3A_53 : memref<1x128xi32, #tpu.memory_space<vmem>> -> memref<128xi32, #tpu.memory_space<vmem>>
      %dma_start3A_55 = arith.constant 0 : i32
      %dma_start3A_56 = arith.constant 0 : i32
      %dma_start3A_57 = tpu.memref_slice %arg8[%dma_start3A_55, %dma_start3A_56] : memref<100000x16xf32, #tpu.memory_space<vmem_shared>> -> memref<100000x16xf32, #tpu.memory_space<vmem_shared>>
      tpu.enqueue_indirect_dma source(%dma_start3A_51 : memref<128x16xf32, #tpu.memory_space<vmem>>) target(%dma_start3A_57 : memref<100000x16xf32, #tpu.memory_space<vmem_shared>>) offsets(%dma_start3A_54 : memref<128xi32, #tpu.memory_space<vmem>>) semaphore(%run_scoped3A_49 : memref<!tpu.dma_semaphore, #tpu.memory_space<semaphore_mem>>) {add = true}
      %dma_wait3A = arith.constant 768 : i32
      %dma_wait3A_58 = arith.constant 0 : i32
      %dma_wait3A_59 = tpu.memref_slice %arg7[%dma_wait3A, %dma_wait3A_58] : memref<1024x16xf32, #tpu.memory_space<vmem>> -> memref<128x16xf32, #tpu.memory_space<vmem>>
      %dma_wait3A_60 = arith.constant 0 : i32
      %dma_wait3A_61 = tpu.memref_slice %arg6[%run_scoped3A_42, %dma_wait3A_60] : memref<8x128xi32, #tpu.memory_space<vmem>> -> memref<1x128xi32, #tpu.memory_space<vmem>>
      %dma_wait3A_62 = tpu.memref_squeeze %dma_wait3A_61 : memref<1x128xi32, #tpu.memory_space<vmem>> -> memref<128xi32, #tpu.memory_space<vmem>>
      %dma_wait3A_63 = arith.constant 0 : i32
      %dma_wait3A_64 = arith.constant 0 : i32
      %dma_wait3A_65 = tpu.memref_slice %arg8[%dma_wait3A_63, %dma_wait3A_64] : memref<100000x16xf32, #tpu.memory_space<vmem_shared>> -> memref<100000x16xf32, #tpu.memory_space<vmem_shared>>
      tpu.wait_indirect_dma semaphore(%run_scoped3A_49 : memref<!tpu.dma_semaphore, #tpu.memory_space<semaphore_mem>>) src(%dma_wait3A_59 : memref<128x16xf32, #tpu.memory_space<vmem>>) dst(%dma_wait3A_65 : memref<100000x16xf32, #tpu.memory_space<vmem_shared>>)
      tpu.yield
    }) : () -> ()
    %run_scoped3A_43 = arith.constant 7 : i32
    "tpu.region"() ({
      %run_scoped3A_49 = tpu.sem_alloc : memref<!tpu.dma_semaphore, #tpu.memory_space<semaphore_mem>>
      %dma_start3A = arith.constant 896 : i32
      %dma_start3A_50 = arith.constant 0 : i32
      %dma_start3A_51 = tpu.memref_slice %arg7[%dma_start3A, %dma_start3A_50] : memref<1024x16xf32, #tpu.memory_space<vmem>> -> memref<128x16xf32, #tpu.memory_space<vmem>>
      %dma_start3A_52 = arith.constant 0 : i32
      %dma_start3A_53 = tpu.memref_slice %arg6[%run_scoped3A_43, %dma_start3A_52] : memref<8x128xi32, #tpu.memory_space<vmem>> -> memref<1x128xi32, #tpu.memory_space<vmem>>
      %dma_start3A_54 = tpu.memref_squeeze %dma_start3A_53 : memref<1x128xi32, #tpu.memory_space<vmem>> -> memref<128xi32, #tpu.memory_space<vmem>>
      %dma_start3A_55 = arith.constant 0 : i32
      %dma_start3A_56 = arith.constant 0 : i32
      %dma_start3A_57 = tpu.memref_slice %arg8[%dma_start3A_55, %dma_start3A_56] : memref<100000x16xf32, #tpu.memory_space<vmem_shared>> -> memref<100000x16xf32, #tpu.memory_space<vmem_shared>>
      tpu.enqueue_indirect_dma source(%dma_start3A_51 : memref<128x16xf32, #tpu.memory_space<vmem>>) target(%dma_start3A_57 : memref<100000x16xf32, #tpu.memory_space<vmem_shared>>) offsets(%dma_start3A_54 : memref<128xi32, #tpu.memory_space<vmem>>) semaphore(%run_scoped3A_49 : memref<!tpu.dma_semaphore, #tpu.memory_space<semaphore_mem>>) {add = true}
      %dma_wait3A = arith.constant 896 : i32
      %dma_wait3A_58 = arith.constant 0 : i32
      %dma_wait3A_59 = tpu.memref_slice %arg7[%dma_wait3A, %dma_wait3A_58] : memref<1024x16xf32, #tpu.memory_space<vmem>> -> memref<128x16xf32, #tpu.memory_space<vmem>>
      %dma_wait3A_60 = arith.constant 0 : i32
      %dma_wait3A_61 = tpu.memref_slice %arg6[%run_scoped3A_43, %dma_wait3A_60] : memref<8x128xi32, #tpu.memory_space<vmem>> -> memref<1x128xi32, #tpu.memory_space<vmem>>
      %dma_wait3A_62 = tpu.memref_squeeze %dma_wait3A_61 : memref<1x128xi32, #tpu.memory_space<vmem>> -> memref<128xi32, #tpu.memory_space<vmem>>
      %dma_wait3A_63 = arith.constant 0 : i32
      %dma_wait3A_64 = arith.constant 0 : i32
      %dma_wait3A_65 = tpu.memref_slice %arg8[%dma_wait3A_63, %dma_wait3A_64] : memref<100000x16xf32, #tpu.memory_space<vmem_shared>> -> memref<100000x16xf32, #tpu.memory_space<vmem_shared>>
      tpu.wait_indirect_dma semaphore(%run_scoped3A_49 : memref<!tpu.dma_semaphore, #tpu.memory_space<semaphore_mem>>) src(%dma_wait3A_59 : memref<128x16xf32, #tpu.memory_space<vmem>>) dst(%dma_wait3A_65 : memref<100000x16xf32, #tpu.memory_space<vmem_shared>>)
      tpu.yield
    }) : () -> ()
    %barrier3A_44 = arith.constant 0 : index
    tpu.barrier barrier_id(%barrier3A_44)
    %mul3A_45 = arith.constant 6250 : i32
    %mul3A_46 = arith.muli %arg1, %mul3A_45 : i32
    %mul3A_47 = arith.constant 6250 : i32
    %mul3A_48 = arith.muli %arg1, %mul3A_47 : i32
    "tpu.region"() ({
      %run_scoped3A_49 = tpu.sem_alloc : memref<!tpu.dma_semaphore, #tpu.memory_space<semaphore_mem>>
      %dma_start3A = tpu.memref_slice %arg5[%mul3A_48, %mul3A_30] : memref<100000x64xf32, #tpu.memory_space<hbm>> -> memref<6250x16xf32, #tpu.memory_space<hbm>>
      %dma_start3A_50 = arith.constant 0 : i32
      %dma_start3A_51 = tpu.memref_slice %arg8[%mul3A_46, %dma_start3A_50] : memref<100000x16xf32, #tpu.memory_space<vmem_shared>> -> memref<6250x16xf32, #tpu.memory_space<vmem_shared>>
      tpu.enqueue_dma source(%dma_start3A_51 : memref<6250x16xf32, #tpu.memory_space<vmem_shared>>) target(%dma_start3A : memref<6250x16xf32, #tpu.memory_space<hbm>>) target_semaphore(%run_scoped3A_49 : memref<!tpu.dma_semaphore, #tpu.memory_space<semaphore_mem>>)
      %dma_wait3A = tpu.memref_slice %arg5[%mul3A_48, %mul3A_30] : memref<100000x64xf32, #tpu.memory_space<hbm>> -> memref<6250x16xf32, #tpu.memory_space<hbm>>
      %dma_wait3A_52 = arith.constant 0 : i32
      %dma_wait3A_53 = tpu.memref_slice %arg8[%mul3A_46, %dma_wait3A_52] : memref<100000x16xf32, #tpu.memory_space<vmem_shared>> -> memref<6250x16xf32, #tpu.memory_space<vmem_shared>>
      tpu.wait_dma2 semaphore(%run_scoped3A_49 : memref<!tpu.dma_semaphore, #tpu.memory_space<semaphore_mem>>) src(%dma_wait3A_53 : memref<6250x16xf32, #tpu.memory_space<vmem_shared>>) dst(%dma_wait3A : memref<6250x16xf32, #tpu.memory_space<hbm>>)
      tpu.yield
    }) : () -> ()
    return
  }
}

</mosaic_0001>

<sc_bundles>
// kernel: kernel.3.cloned.1.call-start
scs
__scs_entry_jumppad:
0x0: {  	(pc) =	sbr.rel $0x88, $3  }
0x1: {  	(tag) =	ssettag $0x0;
	lr =	simm.s32 $0x1  }
0x2: {  	[smem:$0x3F9E] =	sst lr;
	_ =	strace $0xD0000000  }
0x3: {  	_ = 	snop  }
0x4: {  	_ = 	snop  }
0x5: {  	_ = 	snop  }
0x6: {  	_ = 	snop  }
0x7: {  	_ = 	snop  }
__scs_overlays_trampoline_lowered:
0x8: {  	[smem:$0x3FAD] =	sst s0  }
0x9: {  	[smem:$0x3FAE] =	sst s1  }
0xa: {  	[smem:$0x3FAF] =	sst s2  }
0xb: {  	[smem:$0x3FB0] =	sst s3  }
0xc: {  	[smem:$0x3FB1] =	sst s4  }
0xd: {  	[smem:$0x3FB2] =	sst s5  }
0xe: {  	[smem:$0x3FB3] =	sst s6  }
0xf: {  	[smem:$0x3FB4] =	sst s7  }
0x10: {  	[smem:$0x3FB5] =	sst s8  }
0x11: {  	[smem:$0x3FB6] =	sst s9;
	s0 =	simm.s32 @!p0 $0x0  }
0x12: {  	s1 =	sld [smem:$0x3F9C];
	s0 =	simm.s32 @p0 $0x1  }
0x13: {  	[smem:$0x3FB7] =	sst s0;
	s0 =	simm.s32 @!p1 $0x0  }
0x14: {  	s2 =	sld [smem:$0x3F9B];
	s0 =	simm.s32 @p1 $0x1  }
0x15: {  	[smem:$0x3FB8] =	sst s0;
	s0 =	simm.s32 @!p2 $0x0  }
0x16: {  	s3 =	sld [smem:$0x3FDB];
	s0 =	simm.s32 @p2 $0x1  }
0x17: {  	s4 =	simm.s32 $0x1BF5;
	[smem:$0x3FBA] =	sst s0  }
0x18: {  	s0 =	sld [smem:$0x3F9D];
	_ =	swait.ge [sflag:s4], $0x0  }
0x19: {  	s7 =	sld [smem:$0x3F9E]  }
0x1a: {  	s8 =	sadd.s32 $0xFFFFE003, lr  }
0x1b: {  	s9 =	sadd.s32 $0xFFFFFEF7, lr;
	s5 =	simm.s32 $0xFFFFFFFF;
	p2 =	slt.u32 s8, $0xFFFFF086  }
0x1c: {  	p1 =	slt.u32 s9, $0xF7A;
	s5 =	simm.s32 @!p2 $0x0  }
0x1d: {  	s5 =	simm.s32 @p1 $0x1;
	p0 =	seq.s32 s7, s2  }
0x1e: {  	s7 =	smul.u32 @!p0 $0xF7A, s2;
	p2 =	seq.s32 @!p0 s5, $0x0  }
0x1f: {  	s9 =	smul.u32 $0xF7A, s1;
	s8 =	simm.s32 @!p0 $0x1BF5;
	p2 =	por !p2, p0  }
0x20: {  	[sflag:s8] =	ssyncset.s32 @!p0 $0xFFFFF086;
	s6 =	sadd.s32 @!p0 s3, s7;
	s7 =	simm.s32 @!p0 $0x108  }
0x21: {  	s3 =	sadd.s32 s3, s9;
	s6 =	sadd.s32 @!p0 $0x88, s6;
	s7 =	simm.s32 @p2 $0x1082  }
0x22: {  	[simem:s7], [sflag:s8] =	dma.local @!p0 [hbm:s6], $0xF7A  }
0x23: {  	s9 =	sor.u32 $0xD0000000, s2;
	s6 =	simm.s32 $0x108;
	_ =	swait.ge @!p0 [sflag:s8], $0x0  }
0x24: {  	s3 =	sadd.s32 $0x88, s3;
	s6 =	simm.s32 @!p1 $0x1082;
	[sflag:s4] =	ssyncset.s32 $0xFFFFF086  }
0x25: {  	[simem:s6], [sflag:s4] =	dma.local [hbm:s3], $0xF7A  }
0x26: {  	[smem:$0x3F9E] =	sst s1;
	(tag) =	ssettag s2;
	_ =	strace s9  }
0x27: {  	s1 =	sld [smem:$0x3FAE]  }
0x28: {  	s2 =	sld [smem:$0x3FAF]  }
0x29: {  	s4 =	sld [smem:$0x3FB1]  }
0x2a: {  	p0 =	seq.s32 s5, $0x0;
	s5 =	sld [smem:$0x3FB2]  }
0x2b: {  	s6 =	sld [smem:$0x3FB3]  }
0x2c: {  	s7 =	sld [smem:$0x3FB4]  }
0x2d: {  	s3 =	simm.s32 $0x108;
	s8 =	sld [smem:$0x3FB5]  }
0x2e: {  	s3 =	simm.s32 @!p0 $0x1082;
	s9 =	sld [smem:$0x3FB6]  }
0x2f: {  	lr =	sadd.s32 s0, s3;
	s0 =	sld [smem:$0x3FAD]  }
0x30: {  	s3 =	sld [smem:$0x3FB0]  }
0x31: {  	[smem:$0x3FB9] =	sst s10  }
0x32: {  	s10 =	sld [smem:$0x3FB7];
	_ =	sdelay $0x3  }
0x33: {  	p0 =	seq.s32 s10, $0x1;
	s10 =	sld [smem:$0x3FB9];
	_ =	sdelay $0x3  }
0x34: {  	[smem:$0x3FB9] =	sst s10  }
0x35: {  	s10 =	sld [smem:$0x3FB8];
	_ =	sdelay $0x3  }
0x36: {  	p1 =	seq.s32 s10, $0x1;
	s10 =	sld [smem:$0x3FB9];
	_ =	sdelay $0x3  }
0x37: {  	[smem:$0x3FB9] =	sst s10  }
0x38: {  	s10 =	sld [smem:$0x3FBA]  }
0x39: {  	_ = 	snop;
	(pc) =	sbr.ind lr, $3  }
0x3a: {  	_ = 	snop  }
0x3b: {  	_ = 	snop  }
0x3c: {  	p2 =	seq.s32 s10, $0x1;
	s10 =	sld [smem:$0x3FB9]  }
0x3d: {  	_ =	shalt  }
0x3e: {  	_ =	shalt  }
0x3f: {  	_ =	shalt  }
0x40: {  	_ =	shalt  }
0x41: {  	_ =	shalt  }
0x42: {  	_ =	shalt  }
0x43: {  	_ =	shalt  }
0x44: {  	_ =	shalt  }
0x45: {  	_ =	shalt  }
0x46: {  	_ =	shalt  }
0x47: {  	_ =	shalt  }
0x48: {  	_ =	shalt  }
0x49: {  	_ =	shalt  }
0x4a: {  	_ =	shalt  }
0x4b: {  	_ =	shalt  }
0x4c: {  	_ =	shalt  }
0x4d: {  	_ =	shalt  }
0x4e: {  	_ =	shalt  }
0x4f: {  	_ =	shalt  }
0x50: {  	_ =	shalt  }
0x51: {  	_ =	shalt  }
0x52: {  	_ =	shalt  }
0x53: {  	_ =	shalt  }
0x54: {  	_ =	shalt  }
0x55: {  	_ =	shalt  }
0x56: {  	_ =	shalt  }
0x57: {  	_ =	shalt  }
0x58: {  	_ =	shalt  }
0x59: {  	_ =	shalt  }
0x5a: {  	_ =	shalt  }
0x5b: {  	_ =	shalt  }
0x5c: {  	_ =	shalt  }
0x5d: {  	_ =	shalt  }
0x5e: {  	_ =	shalt  }
0x5f: {  	_ =	shalt  }
0x60: {  	_ =	shalt  }
0x61: {  	_ =	shalt  }
0x62: {  	_ =	shalt  }
0x63: {  	_ =	shalt  }
0x64: {  	_ =	shalt  }
0x65: {  	_ =	shalt  }
0x66: {  	_ =	shalt  }
0x67: {  	_ =	shalt  }
0x68: {  	_ =	shalt  }
0x69: {  	_ =	shalt  }
0x6a: {  	_ =	shalt  }
0x6b: {  	_ =	shalt  }
0x6c: {  	_ =	shalt  }
0x6d: {  	_ =	shalt  }
0x6e: {  	_ =	shalt  }
0x6f: {  	_ =	shalt  }
0x70: {  	_ =	shalt  }
0x71: {  	_ =	shalt  }
0x72: {  	_ =	shalt  }
0x73: {  	_ =	shalt  }
0x74: {  	_ =	shalt  }
0x75: {  	_ =	shalt  }
0x76: {  	_ =	shalt  }
0x77: {  	_ =	shalt  }
0x78: {  	_ =	shalt  }
0x79: {  	_ =	shalt  }
0x7a: {  	_ =	shalt  }
0x7b: {  	_ =	shalt  }
0x7c: {  	_ =	shalt  }
0x7d: {  	_ =	shalt  }
0x7e: {  	_ =	shalt  }
0x7f: {  	_ =	shalt  }
0x80: {  	_ =	shalt  }
0x81: {  	_ =	shalt  }
0x82: {  	_ =	shalt  }
0x83: {  	_ =	shalt  }
0x84: {  	_ =	shalt  }
0x85: {  	_ =	shalt  }
0x86: {  	_ =	shalt  }
0x87: {  	_ =	shalt  }
.Lfunc_end0:
.L_simem_size_0:
called_computation_lowered:
.L_overlay_start_0:
0x88: {  	s2 =	sld [smem:$0x3FD9]  }
0x89: {  	s3 =	sld [smem:$0x3FFE];
	_ =	sdelay $0x1  }
0x8a: {  	s1 =	srdreg.scid  }
0x8b: {  	s0 =	sand.u32 $0x1, s1  }
0x8c: {  	s17 =	sshll.u32 s0, $0xA;
	s2 =	sadd.s32 s3, s2  }
0x8d: {  	s2 =	sadd.s32 s2, s17  }
0x8e: {  	[smem:$0x3FC5] =	sst s2  }
0x8f: {  	_ = 	snop  }
0x90: {  	s2 =	sld [smem:$0x3FC9]  }
0x91: {  	s18 =	sld [smem:$0x3FD0];
	(tm) =	ssettm $0x1  }
0x92: {  	s4 =	sld [smem:$0x3FFB];
	_ =	sdelay $0x3  }
0x93: {  	_ =	strace s4  }
0x94: {  	s4 =	sld [smem:$0x3FFC];
	_ =	sdelay $0x3  }
0x95: {  	_ =	strace s4  }
0x96: {  	s4 =	sld [smem:$0x3FFD];
	_ =	sdelay $0x3  }
0x97: {  	_ =	strace s4  }
0x98: {  	_ =	strace $0x8FFFFFFF  }
0x99: {  	s19 =	sld [smem:$0x3FDB];
	_ =	sdelay $0x1  }
0x9a: {  	s5 =	simm.s32 $_scs_section_size  }
0x9b: {  	s6 =	simm.s32 $_size__tile_overlayer_lowered;
	s7 =	simm.s32 $_tile_overlayer_lowered  }
0x9c: {  	s22 =	simm.s32 $0x1BFF;
	s21 =	sshll.u32 s7, $0x1;
	s4 =	sadd.s32 s5, s19  }
0x9d: {  	s8 =	simm.s32 $0x0;
	s20 =	sshll.u32 s6, $0x1;
	s6 =	sadd.s32 s21, s4  }
0x9e: {  	[timem:s8], [sflag:s22] =	dma.local [hbm:s6], s20  }
0x9f: {  	_ =	swait.ge [sflag:s22], s20  }
0xa0: {  	s5 =	ssub.s32 $0x0, s20;
	[sflag:s22] =	ssyncset.done $0x0  }
0xa1: {  	[sflag:s22] =	ssyncadd.s32 s5;
	_ =	sdelay $0x1  }
0xa2: {  	s23 =	simm.s32 $0x1B8B  }
0xa3: {  	_ =	swait.ge [sflag:s23], $0x1  }
0xa4: {  	[sflag:s23] =	ssyncset.done $0x0  }
0xa5: {  	s25 =	simm.s32 $0x1B8E;
	s24 =	sld [smem:$0x3FFE];
	[sflag:s23] =	ssyncadd.s32 $0xFFFFFFFF  }
0xa6: {  	s26 =	simm.s32 $execute0_lowered;
	[smem:$0x3FD2] =	sst s25  }
0xa7: {  	s6 =	sshll.u32 s26, $0x1;
	_ =	strace $0x80000046;
	[dreg:$0x1] =	wrdreg $0xFFFFFFFF  }
0xa8: {  	s28 =	simm.s32 $_size_execute0_lowered;
	s4 =	sadd.s32 s4, s6;
	[dreg:$0x0] =	wrdreg $0x0  }
0xa9: {  	s6 =	sshll.u32 s28, $0x1;
	[dreg:$0x2] =	wrdreg s4  }
0xaa: {  	[dreg:$0x3] =	wrdreg s6  }
0xab: {  	[dreg:$0x4] =	wrdreg $0xC0  }
0xac: {  	_ =	task [dreg:s8], $0x5FFFF  }
0xad: {  	[dreg:$0x1] =	wrdreg $0xFFFFFFFF  }
0xae: {  	[dreg:$0x0] =	wrdreg $0x60  }
0xaf: {  	[dreg:$0x2] =	wrdreg s2  }
0xb0: {  	[dreg:$0x3] =	wrdreg s18  }
0xb1: {  	[dreg:$0x4] =	wrdreg s24  }
0xb2: {  	[dreg:$0x5] =	wrdreg $0x44000  }
0xb3: {  	[dreg:$0x6] =	wrdreg $0x9  }
0xb4: {  	_ =	task.clear_ibuf [dreg:s8], $0x7FFFF;
	_ =	strace $0x90000046  }
0xb5: {  	s29 =	simm.s32 $0x9;
	_ =	strace $0x80000048  }
0xb6: {  	_ =	swait.ge [sflag:s29], $0x1  }
0xb7: {  	[sflag:s29] =	ssyncadd.s32 $0xFFFFFFFF  }
0xb8: {  	_ =	strace $0x90000048  }
0xb9: {  	_ =	sfence  }
0xba: {  	s30 =	sld [smem:$0x0];
	_ =	sdelay $0x2  }
0xbb: {  	s31 =	sshll.u32 s1, $0xD;
	s1 =	sshrl.u32 s1, $0x2  }
0xbc: {  	s3 =	sand.u32 $0x4000, s31;
	s1 =	sadd.s32 s1, s30  }
0xbd: {  	s0 =	sor.u32 s3, s0;
	s1 =	sshll.u32 s1, $0x11  }
0xbe: {  	s0 =	sor.u32 s1, s0  }
0xbf: {  	s0 =	sadd.s32 $0x8F2B, s0  }
0xc0: {  	[sflag:s0] =	ssyncadd.remote.s32 $0x1  }
0xc1: {  	_ =	sfence.sel $0xFFFF  }
0xc2: {  	[dreg:$0x0] =	wrdreg $0xFFFFFFFF;
	(pc) =	sbr.abs _section_cstart, $3  }
0xc3: {  	[dreg:$0x1] =	wrdreg $0xFFFFFFFF  }
0xc4: {  	_ =	task.clear_ibuf [dreg:s8], $0x2FFFF;
	_ =	strace $0x9FFFFFFF  }
0xc5: {  	(tm) =	ssettm $0x7FFFFFFF  }
tec
execute0_lowered:
.L_overlay_start_1:
0x0: {  	(tag) =	ssettag $0x1  }
0x1: {  	s0 =	rddreg [dreg:$0x0]  }
0x2: {  	s5 =	rddreg [dreg:$0x1]  }
0x3: {  	s29 =	rddreg [dreg:$0x2]  }
0x4: {  	s2 =	rddreg [dreg:$0x3];
	s3 =	simm.s32 $0x0;
	s1 =	srdreg.scid  }
0x5: {  	s6 =	stileid.u32;
	[smem:$0x7FF] =	sst s3;
	s4 =	sand.u32 $0x1, s1  }
0x6: {  	s19 =	sshll.u32 s6, $0x7;
	s30 =	smul.u32 $0x61A80, s6;
	s25 =	sshll.u32 s6, $0x10  }
0x7: {  	[dreg:$0x7] =	wrdreg s4;
	s0 =	sadd.s32 s0, s19;
	s31 =	sshll.u32 s4, $0x5  }
0x8: {  	_ =	strace $0x80000047;
	[dreg:$0x5] =	wrdreg s0;
	s20 =	sor.u32 s31, s30  }
0x9: {  	s7 =	simm.s32 $0x2;
	[dreg:$0x8] =	wrdreg s25;
	s28 =	sshrl.u32 s20, $0x3  }
0xa: {  	s8 =	simm.s32 $0x8;
	s21 =	rddreg [dreg:$0x5];
	s22 =	sadd.s32 s5, s28  }
0xb: {  	[tilespmem:s3], [sflag:$0x1] =	stream.linear.gather [hbm4b:s21+s3], $0x400, $0x38;
	[tilespmem:$0x1CAA0] =	vst v63  }
0xc: {  	s11 =	simm.s32 $0x40;
	s4 =	simm.s32 $0x1;
	[dreg:$0x6] =	wrdreg s22  }
0xd: {  	s26 =	sshll.u32 s6, $0x6;
	s23 =	sshrl.u32 s30, $0x2;
	_ =	swait.ge [sflag:s4], $0x400  }
0xe: {  	s24 =	sadd.s32 s23, s2;
	s5 =	sor.u32 $0x1C01, s26;
	[sflag:s4] =	ssyncset.done $0x0  }
0xf: {  	s6 =	sshrl.u32 s24, $0x3;
	s10 =	rddreg [dreg:$0x6];
	[sflag:s4] =	ssyncadd.s32 $0xFFFFFC00  }
0x10: {  	[spmem:s6@s7], [sflag:s5] =	dma.strided [hbm:s10@s8], $0x30D4, s4, $0x2   }
0x11: {  	s12 =	simm.s32 $0x400;
	s9 =	sor.u32 s31, s25;
	_ =	swait.ge [sflag:s4], $0x30D4  }
0x12: {  	s1 =	sadd.s32 $0x600, s29;
	s9 =	sshrl.u32 s9, $0x3;
	[sflag:s4] =	ssyncset.done $0x0  }
0x13: {  	s9 =	sadd.s32 s1, s9;
	s10 =	simm.s32 $0x10;
	[sflag:s4] =	ssyncadd.s32 $0xFFFFCF2C  }
0x14: {  	[tilespmem:s12], [sflag:$0x1] =	stream.strided.gather [hbm4b:s9+s10], $0x4000, s11, s10, $0x38;
	[tilespmem:$0x1CAA0] =	vst v63  }
0x15: {  	_ =	swait.ge [sflag:s4], $0x4000  }
0x16: {  	[sflag:s4] =	ssyncset.done $0x0  }
0x17: {  	[sflag:s4] =	ssyncadd.s32 $0xFFFFC000  }
0x18: {  	s13 =	simm.s32 $0x80;
	[bflag:$0x0] =	sbarrier.arrive $0xFFFF  }
0x19: {  	[spmem:s2] =	stream.indirect.scatter.add.f32 [tilespmem:s12], [sflag:$0x1], $0x10, s3, s13, $0xb8;
	[tilespmem:$0x1CAA0] =	vst v63  }
0x1a: {  	_ =	swait.ge [sflag:s4], $0x800  }
0x1b: {  	[sflag:s4] =	ssyncset.done $0x0  }
0x1c: {  	s14 =	simm.s32 $0xC00;
	[sflag:s4] =	ssyncadd.s32 $0xFFFFF800  }
0x1d: {  	[spmem:s2] =	stream.indirect.scatter.add.f32 [tilespmem:s14], [sflag:$0x1], $0x10, s13, s13, $0xb8;
	[tilespmem:$0x1CAA0] =	vst v63  }
0x1e: {  	_ =	swait.ge [sflag:s4], $0x800  }
0x1f: {  	[sflag:s4] =	ssyncset.done $0x0  }
0x20: {  	s15 =	simm.s32 $0x100;
	s16 =	simm.s32 $0x1400;
	[sflag:s4] =	ssyncadd.s32 $0xFFFFF800  }
0x21: {  	[spmem:s2] =	stream.indirect.scatter.add.f32 [tilespmem:s16], [sflag:$0x1], $0x10, s15, s13, $0xb8;
	[tilespmem:$0x1CAA0] =	vst v63  }
0x22: {  	_ =	swait.ge [sflag:s4], $0x800  }
0x23: {  	[sflag:s4] =	ssyncset.done $0x0  }
0x24: {  	s17 =	simm.s32 $0x180;
	s18 =	simm.s32 $0x1C00;
	[sflag:s4] =	ssyncadd.s32 $0xFFFFF800  }
0x25: {  	[spmem:s2] =	stream.indirect.scatter.add.f32 [tilespmem:s18], [sflag:$0x1], $0x10, s17, s13, $0xb8;
	[tilespmem:$0x1CAA0] =	vst v63  }
0x26: {  	_ =	swait.ge [sflag:s4], $0x800  }
0x27: {  	[sflag:s4] =	ssyncset.done $0x0  }
0x28: {  	s19 =	simm.s32 $0x200;
	s20 =	simm.s32 $0x2400;
	[sflag:s4] =	ssyncadd.s32 $0xFFFFF800  }
0x29: {  	[spmem:s2] =	stream.indirect.scatter.add.f32 [tilespmem:s20], [sflag:$0x1], $0x10, s19, s13, $0xb8;
	[tilespmem:$0x1CAA0] =	vst v63  }
0x2a: {  	_ =	swait.ge [sflag:s4], $0x800  }
0x2b: {  	[sflag:s4] =	ssyncset.done $0x0  }
0x2c: {  	s21 =	simm.s32 $0x280;
	s22 =	simm.s32 $0x2C00;
	[sflag:s4] =	ssyncadd.s32 $0xFFFFF800  }
0x2d: {  	[spmem:s2] =	stream.indirect.scatter.add.f32 [tilespmem:s22], [sflag:$0x1], $0x10, s21, s13, $0xb8;
	[tilespmem:$0x1CAA0] =	vst v63  }
0x2e: {  	_ =	swait.ge [sflag:s4], $0x800  }
0x2f: {  	[sflag:s4] =	ssyncset.done $0x0  }
0x30: {  	s23 =	simm.s32 $0x300;
	s24 =	simm.s32 $0x3400;
	[sflag:s4] =	ssyncadd.s32 $0xFFFFF800  }
0x31: {  	[spmem:s2] =	stream.indirect.scatter.add.f32 [tilespmem:s24], [sflag:$0x1], $0x10, s23, s13, $0xb8;
	[tilespmem:$0x1CAA0] =	vst v63  }
0x32: {  	_ =	swait.ge [sflag:s4], $0x800  }
0x33: {  	[sflag:s4] =	ssyncset.done $0x0  }
0x34: {  	s25 =	simm.s32 $0x380;
	s26 =	simm.s32 $0x3C00;
	[sflag:s4] =	ssyncadd.s32 $0xFFFFF800  }
0x35: {  	[spmem:s2] =	stream.indirect.scatter.add.f32 [tilespmem:s26], [sflag:$0x1], $0x10, s25, s13, $0xb8;
	[tilespmem:$0x1CAA0] =	vst v63  }
0x36: {  	_ =	swait.ge [sflag:s4], $0x800  }
0x37: {  	s0 =	sadd.s32 $0x20600, s29;
	[sflag:s4] =	ssyncset.done $0x0  }
0x38: {  	[dreg:$0x9] =	wrdreg s0;
	[sflag:s4] =	ssyncadd.s32 $0xFFFFF800  }
0x39: {  	s28 =	sadd.s32 s0, s28;
	[bflag:$0x0] =	sbarrier.arrive $0xFFFF  }
0x3a: {  	[hbm:s28@s8], [sflag:s5] =	dma.strided [spmem:s6@s7], $0x30D4, s4, $0x2   }
0x3b: {  	_ =	swait.ge [sflag:s4], $0x30D4  }
0x3c: {  	s31 =	sor.u32 $0x10, s31;
	[sflag:s4] =	ssyncset.done $0x0  }
0x3d: {  	s29 =	sor.u32 s30, s31;
	[sflag:s4] =	ssyncadd.s32 $0xFFFFCF2C  }
0x3e: {  	s0 =	sshrl.u32 s29, $0x3;
	s29 =	rddreg [dreg:$0x1]  }
0x3f: {  	[bflag:$0x0] =	sbarrier.arrive $0xFFFF;
	s29 =	sadd.s32 s29, s0  }
0x40: {  	[spmem:s6@s7], [sflag:s5] =	dma.strided [hbm:s29@s8], $0x30D4, s4, $0x2   }
0x41: {  	s30 =	rddreg [dreg:$0x8]  }
0x42: {  	_ =	swait.ge [sflag:s4], $0x30D4;
	s30 =	sor.u32 s30, s31  }
0x43: {  	[sflag:s4] =	ssyncset.done $0x0;
	s30 =	sshrl.u32 s30, $0x3  }
0x44: {  	[sflag:s4] =	ssyncadd.s32 $0xFFFFCF2C;
	s30 =	sadd.s32 s1, s30  }
0x45: {  	[tilespmem:s12], [sflag:$0x1] =	stream.strided.gather [hbm4b:s30+s10], $0x4000, s11, s10, $0x38;
	[tilespmem:$0x1CAA0] =	vst v63  }
0x46: {  	_ =	swait.ge [sflag:s4], $0x4000  }
0x47: {  	[sflag:s4] =	ssyncset.done $0x0  }
0x48: {  	[sflag:s4] =	ssyncadd.s32 $0xFFFFC000  }
0x49: {  	[bflag:$0x0] =	sbarrier.arrive $0xFFFF  }
0x4a: {  	[spmem:s2] =	stream.indirect.scatter.add.f32 [tilespmem:s12], [sflag:$0x1], $0x10, s3, s13, $0xb8;
	[tilespmem:$0x1CAA0] =	vst v63  }
0x4b: {  	_ =	swait.ge [sflag:s4], $0x800  }
0x4c: {  	[sflag:s4] =	ssyncset.done $0x0  }
0x4d: {  	[sflag:s4] =	ssyncadd.s32 $0xFFFFF800  }
0x4e: {  	[spmem:s2] =	stream.indirect.scatter.add.f32 [tilespmem:s14], [sflag:$0x1], $0x10, s13, s13, $0xb8;
	[tilespmem:$0x1CAA0] =	vst v63  }
0x4f: {  	_ =	swait.ge [sflag:s4], $0x800  }
0x50: {  	[sflag:s4] =	ssyncset.done $0x0  }
0x51: {  	[sflag:s4] =	ssyncadd.s32 $0xFFFFF800  }
0x52: {  	[spmem:s2] =	stream.indirect.scatter.add.f32 [tilespmem:s16], [sflag:$0x1], $0x10, s15, s13, $0xb8;
	[tilespmem:$0x1CAA0] =	vst v63  }
0x53: {  	_ =	swait.ge [sflag:s4], $0x800  }
0x54: {  	[sflag:s4] =	ssyncset.done $0x0  }
0x55: {  	[sflag:s4] =	ssyncadd.s32 $0xFFFFF800  }
0x56: {  	[spmem:s2] =	stream.indirect.scatter.add.f32 [tilespmem:s18], [sflag:$0x1], $0x10, s17, s13, $0xb8;
	[tilespmem:$0x1CAA0] =	vst v63  }
0x57: {  	_ =	swait.ge [sflag:s4], $0x800  }
0x58: {  	[sflag:s4] =	ssyncset.done $0x0  }
0x59: {  	[sflag:s4] =	ssyncadd.s32 $0xFFFFF800  }
0x5a: {  	[spmem:s2] =	stream.indirect.scatter.add.f32 [tilespmem:s20], [sflag:$0x1], $0x10, s19, s13, $0xb8;
	[tilespmem:$0x1CAA0] =	vst v63  }
0x5b: {  	_ =	swait.ge [sflag:s4], $0x800  }
0x5c: {  	[sflag:s4] =	ssyncset.done $0x0  }
0x5d: {  	[sflag:s4] =	ssyncadd.s32 $0xFFFFF800  }
0x5e: {  	[spmem:s2] =	stream.indirect.scatter.add.f32 [tilespmem:s22], [sflag:$0x1], $0x10, s21, s13, $0xb8;
	[tilespmem:$0x1CAA0] =	vst v63  }
0x5f: {  	_ =	swait.ge [sflag:s4], $0x800  }
0x60: {  	[sflag:s4] =	ssyncset.done $0x0  }
0x61: {  	[sflag:s4] =	ssyncadd.s32 $0xFFFFF800  }
0x62: {  	[spmem:s2] =	stream.indirect.scatter.add.f32 [tilespmem:s24], [sflag:$0x1], $0x10, s23, s13, $0xb8;
	[tilespmem:$0x1CAA0] =	vst v63  }
0x63: {  	_ =	swait.ge [sflag:s4], $0x800  }
0x64: {  	[sflag:s4] =	ssyncset.done $0x0;
	s1 =	rddreg [dreg:$0x7]  }
0x65: {  	[sflag:s4] =	ssyncadd.s32 $0xFFFFF800;
	s31 =	ssub.s32 $0x2, s1  }
0x66: {  	[spmem:s2] =	stream.indirect.scatter.add.f32 [tilespmem:s26], [sflag:$0x1], $0x10, s25, s13, $0xb8;
	[tilespmem:$0x1CAA0] =	vst v63  }
0x67: {  	s1 =	sshrl.u32 s31, $0x1  }
0x68: {  	s1 =	ssub.s32 s31, s1  }
0x69: {  	s1 =	smax.u32 s1, $0x1  }
0x6a: {  	_ =	swait.ge [sflag:s4], $0x800;
	p0 =	sne.s32 s1, $0x1  }
.Ltmp0:
0x6b: {  	[sflag:s4] =	ssyncset.done $0x0;
	(pc) =	sbr.rel @!p0 .LBB2_2-.Ltmp0, $4  }
0x6c: {  	s31 =	rddreg [dreg:$0x9];
	[sflag:s4] =	ssyncadd.s32 $0xFFFFF800  }
0x6d: {  	s31 =	sadd.s32 s31, s0;
	[bflag:$0x0] =	sbarrier.arrive $0xFFFF  }
0x6e: {  	[hbm:s31@s8], [sflag:s5] =	dma.strided [spmem:s6@s7], $0x30D4, s4, $0x2   }
0x6f: {  	s0 =	sadd.s32 $0xFFFFFFFF, s1;
	_ =	swait.ge [sflag:s4], $0x30D4  }
.LBB2_1:
0x70: {  	[sflag:s4] =	ssyncset.done $0x0  }
0x71: {  	s1 =	rddreg [dreg:$0x5];
	[sflag:s4] =	ssyncadd.s32 $0xFFFFCF2C  }
0x72: {  	[tilespmem:s3], [sflag:$0x1] =	stream.linear.gather [hbm4b:s1+s3], $0x400, $0x38;
	[tilespmem:$0x1CAA0] =	vst v63  }
0x73: {  	_ =	swait.ge [sflag:s4], $0x400  }
0x74: {  	[sflag:s4] =	ssyncset.done $0x0  }
0x75: {  	s1 =	rddreg [dreg:$0x6];
	[sflag:s4] =	ssyncadd.s32 $0xFFFFFC00  }
0x76: {  	[spmem:s6@s7], [sflag:s5] =	dma.strided [hbm:s1@s8], $0x30D4, s4, $0x2   }
0x77: {  	_ =	swait.ge [sflag:s4], $0x30D4  }
0x78: {  	[sflag:s4] =	ssyncset.done $0x0  }
0x79: {  	[sflag:s4] =	ssyncadd.s32 $0xFFFFCF2C  }
0x7a: {  	[tilespmem:s12], [sflag:$0x1] =	stream.strided.gather [hbm4b:s9+s10], $0x4000, s11, s10, $0x38;
	[tilespmem:$0x1CAA0] =	vst v63  }
0x7b: {  	_ =	swait.ge [sflag:s4], $0x4000  }
0x7c: {  	[sflag:s4] =	ssyncset.done $0x0  }
0x7d: {  	[sflag:s4] =	ssyncadd.s32 $0xFFFFC000  }
0x7e: {  	[bflag:$0x0] =	sbarrier.arrive $0xFFFF  }
0x7f: {  	[spmem:s2] =	stream.indirect.scatter.add.f32 [tilespmem:s12], [sflag:$0x1], $0x10, s3, s13, $0xb8;
	[tilespmem:$0x1CAA0] =	vst v63  }
0x80: {  	_ =	swait.ge [sflag:s4], $0x800  }
0x81: {  	[sflag:s4] =	ssyncset.done $0x0  }
0x82: {  	[sflag:s4] =	ssyncadd.s32 $0xFFFFF800  }
0x83: {  	[spmem:s2] =	stream.indirect.scatter.add.f32 [tilespmem:s14], [sflag:$0x1], $0x10, s13, s13, $0xb8;
	[tilespmem:$0x1CAA0] =	vst v63  }
0x84: {  	_ =	swait.ge [sflag:s4], $0x800  }
0x85: {  	[sflag:s4] =	ssyncset.done $0x0  }
0x86: {  	[sflag:s4] =	ssyncadd.s32 $0xFFFFF800  }
0x87: {  	[spmem:s2] =	stream.indirect.scatter.add.f32 [tilespmem:s16], [sflag:$0x1], $0x10, s15, s13, $0xb8;
	[tilespmem:$0x1CAA0] =	vst v63  }
0x88: {  	_ =	swait.ge [sflag:s4], $0x800  }
0x89: {  	[sflag:s4] =	ssyncset.done $0x0  }
0x8a: {  	[sflag:s4] =	ssyncadd.s32 $0xFFFFF800  }
0x8b: {  	[spmem:s2] =	stream.indirect.scatter.add.f32 [tilespmem:s18], [sflag:$0x1], $0x10, s17, s13, $0xb8;
	[tilespmem:$0x1CAA0] =	vst v63  }
0x8c: {  	_ =	swait.ge [sflag:s4], $0x800  }
0x8d: {  	[sflag:s4] =	ssyncset.done $0x0  }
0x8e: {  	[sflag:s4] =	ssyncadd.s32 $0xFFFFF800  }
0x8f: {  	[spmem:s2] =	stream.indirect.scatter.add.f32 [tilespmem:s20], [sflag:$0x1], $0x10, s19, s13, $0xb8;
	[tilespmem:$0x1CAA0] =	vst v63  }
0x90: {  	_ =	swait.ge [sflag:s4], $0x800  }
0x91: {  	[sflag:s4] =	ssyncset.done $0x0  }
0x92: {  	[sflag:s4] =	ssyncadd.s32 $0xFFFFF800  }
0x93: {  	[spmem:s2] =	stream.indirect.scatter.add.f32 [tilespmem:s22], [sflag:$0x1], $0x10, s21, s13, $0xb8;
	[tilespmem:$0x1CAA0] =	vst v63  }
0x94: {  	_ =	swait.ge [sflag:s4], $0x800  }
0x95: {  	[sflag:s4] =	ssyncset.done $0x0  }
0x96: {  	[sflag:s4] =	ssyncadd.s32 $0xFFFFF800  }
0x97: {  	[spmem:s2] =	stream.indirect.scatter.add.f32 [tilespmem:s24], [sflag:$0x1], $0x10, s23, s13, $0xb8;
	[tilespmem:$0x1CAA0] =	vst v63  }
0x98: {  	_ =	swait.ge [sflag:s4], $0x800  }
0x99: {  	[sflag:s4] =	ssyncset.done $0x0  }
0x9a: {  	[sflag:s4] =	ssyncadd.s32 $0xFFFFF800  }
0x9b: {  	[spmem:s2] =	stream.indirect.scatter.add.f32 [tilespmem:s26], [sflag:$0x1], $0x10, s25, s13, $0xb8;
	[tilespmem:$0x1CAA0] =	vst v63  }
0x9c: {  	_ =	swait.ge [sflag:s4], $0x800  }
0x9d: {  	[sflag:s4] =	ssyncset.done $0x0  }
0x9e: {  	[sflag:s4] =	ssyncadd.s32 $0xFFFFF800  }
0x9f: {  	[bflag:$0x0] =	sbarrier.arrive $0xFFFF  }
0xa0: {  	[hbm:s28@s8], [sflag:s5] =	dma.strided [spmem:s6@s7], $0x30D4, s4, $0x2   }
0xa1: {  	_ =	swait.ge [sflag:s4], $0x30D4  }
0xa2: {  	[sflag:s4] =	ssyncset.done $0x0  }
0xa3: {  	[sflag:s4] =	ssyncadd.s32 $0xFFFFCF2C  }
0xa4: {  	[bflag:$0x0] =	sbarrier.arrive $0xFFFF  }
0xa5: {  	[spmem:s6@s7], [sflag:s5] =	dma.strided [hbm:s29@s8], $0x30D4, s4, $0x2   }
0xa6: {  	_ =	swait.ge [sflag:s4], $0x30D4  }
0xa7: {  	[sflag:s4] =	ssyncset.done $0x0  }
0xa8: {  	[sflag:s4] =	ssyncadd.s32 $0xFFFFCF2C  }
0xa9: {  	[tilespmem:s12], [sflag:$0x1] =	stream.strided.gather [hbm4b:s30+s10], $0x4000, s11, s10, $0x38;
	[tilespmem:$0x1CAA0] =	vst v63  }
0xaa: {  	_ =	swait.ge [sflag:s4], $0x4000  }
0xab: {  	[sflag:s4] =	ssyncset.done $0x0  }
0xac: {  	[sflag:s4] =	ssyncadd.s32 $0xFFFFC000  }
0xad: {  	[bflag:$0x0] =	sbarrier.arrive $0xFFFF  }
0xae: {  	[spmem:s2] =	stream.indirect.scatter.add.f32 [tilespmem:s12], [sflag:$0x1], $0x10, s3, s13, $0xb8;
	[tilespmem:$0x1CAA0] =	vst v63  }
0xaf: {  	_ =	swait.ge [sflag:s4], $0x800  }
0xb0: {  	[sflag:s4] =	ssyncset.done $0x0  }
0xb1: {  	[sflag:s4] =	ssyncadd.s32 $0xFFFFF800  }
0xb2: {  	[spmem:s2] =	stream.indirect.scatter.add.f32 [tilespmem:s14], [sflag:$0x1], $0x10, s13, s13, $0xb8;
	[tilespmem:$0x1CAA0] =	vst v63  }
0xb3: {  	_ =	swait.ge [sflag:s4], $0x800  }
0xb4: {  	[sflag:s4] =	ssyncset.done $0x0  }
0xb5: {  	[sflag:s4] =	ssyncadd.s32 $0xFFFFF800  }
0xb6: {  	[spmem:s2] =	stream.indirect.scatter.add.f32 [tilespmem:s16], [sflag:$0x1], $0x10, s15, s13, $0xb8;
	[tilespmem:$0x1CAA0] =	vst v63  }
0xb7: {  	_ =	swait.ge [sflag:s4], $0x800  }
0xb8: {  	[sflag:s4] =	ssyncset.done $0x0  }
0xb9: {  	[sflag:s4] =	ssyncadd.s32 $0xFFFFF800  }
0xba: {  	[spmem:s2] =	stream.indirect.scatter.add.f32 [tilespmem:s18], [sflag:$0x1], $0x10, s17, s13, $0xb8;
	[tilespmem:$0x1CAA0] =	vst v63  }
0xbb: {  	_ =	swait.ge [sflag:s4], $0x800  }
0xbc: {  	[sflag:s4] =	ssyncset.done $0x0  }
0xbd: {  	[sflag:s4] =	ssyncadd.s32 $0xFFFFF800  }
0xbe: {  	[spmem:s2] =	stream.indirect.scatter.add.f32 [tilespmem:s20], [sflag:$0x1], $0x10, s19, s13, $0xb8;
	[tilespmem:$0x1CAA0] =	vst v63  }
0xbf: {  	_ =	swait.ge [sflag:s4], $0x800  }
0xc0: {  	[sflag:s4] =	ssyncset.done $0x0  }
0xc1: {  	[sflag:s4] =	ssyncadd.s32 $0xFFFFF800  }
0xc2: {  	[spmem:s2] =	stream.indirect.scatter.add.f32 [tilespmem:s22], [sflag:$0x1], $0x10, s21, s13, $0xb8;
	[tilespmem:$0x1CAA0] =	vst v63  }
0xc3: {  	_ =	swait.ge [sflag:s4], $0x800  }
0xc4: {  	[sflag:s4] =	ssyncset.done $0x0  }
0xc5: {  	[sflag:s4] =	ssyncadd.s32 $0xFFFFF800  }
0xc6: {  	[spmem:s2] =	stream.indirect.scatter.add.f32 [tilespmem:s24], [sflag:$0x1], $0x10, s23, s13, $0xb8;
	[tilespmem:$0x1CAA0] =	vst v63  }
0xc7: {  	_ =	swait.ge [sflag:s4], $0x800  }
0xc8: {  	[sflag:s4] =	ssyncset.done $0x0  }
0xc9: {  	[sflag:s4] =	ssyncadd.s32 $0xFFFFF800  }
0xca: {  	[spmem:s2] =	stream.indirect.scatter.add.f32 [tilespmem:s26], [sflag:$0x1], $0x10, s25, s13, $0xb8;
	[tilespmem:$0x1CAA0] =	vst v63  }
0xcb: {  	p0 =	sne.s32 s0, $0x1;
	_ =	swait.ge [sflag:s4], $0x800  }
.Ltmp1:
0xcc: {  	[sflag:s4] =	ssyncset.done $0x0;
	(pc) =	sbr.rel @p0 .LBB2_1-.Ltmp1, $4  }
0xcd: {  	[sflag:s4] =	ssyncadd.s32 $0xFFFFF800  }
0xce: {  	[bflag:$0x0] =	sbarrier.arrive $0xFFFF  }
0xcf: {  	[hbm:s31@s8], [sflag:s5] =	dma.strided [spmem:s6@s7], $0x30D4, s4, $0x2   }
0xd0: {  	s0 =	sadd.s32 $0xFFFFFFFF, s0;
	_ =	swait.ge [sflag:s4], $0x30D4  }
.LBB2_2:
0xd1: {  	[sflag:s4] =	ssyncset.done $0x0  }
0xd2: {  	[sflag:s4] =	ssyncadd.s32 $0xFFFFCF2C  }
0xd3: {  	_ =	sfence.sel $0x180000  }
0xd4: {  	[bflag:$0x0] =	sbarrier.arrive $0xFFFF  }
0xd5: {  	_ =	strace $0x90000047  }
0xd6: {  	s0 =	stileid.u32;
	[bflag:$0x2] =	sbarrier.arrive $0xFFFF  }
0xd7: {  	p0 =	sne.s32 s0, $0x0;
	s0 =	rddreg [dreg:$0x4]  }
0xd8: {  	s0 =	sadd.s32 @!p0 $0x100000, s0  }
0xd9: {  	[sflag:s0] =	ssyncadd.tile.s32 @!p0 $0x1;
	_ =	shalt  }
.Lfunc_end2:
_tile_overlayer_lowered:
.L_overlay_start_2:
0xda: {  	(tag) =	ssettag $0x2  }
0xdb: {  	s0 =	rddreg [dreg:$0x0];
	s2 =	stileid.u32  }
0xdc: {  	s1 =	rddreg [dreg:$0x1];
	p0 =	sne.s32 s2, $0x0  }
0xdd: {  	s3 =	rddreg [dreg:$0x2];
	[bflag:$0x3] =	sbarrier.arrive $0xFFFF;
	s2 =	simm.s32 @!p0 $0x1C01  }
0xde: {  	[timem:s3], [sflag:s2] =	dma.local @!p0 [hbm:s0], s1  }
0xdf: {  	s0 =	simm.s32 @!p0 $0x1  }
0xe0: {  	_ =	swait.ge @!p0 [sflag:s0], s1  }
0xe1: {  	s1 =	ssub.s32 @!p0 $0x0, s1;
	[sflag:s0] =	ssyncset.done @!p0 $0x0  }
0xe2: {  	[sflag:s0] =	ssyncadd.s32 @!p0 s1  }
0xe3: {  	[bflag:$0x3] =	sbarrier.arrive $0xFFFF  }
0xe4: {  	_ =	shalt  }

</sc_bundles>
